<compile_context>
chip_gen: v7x
topology: tpu7x:2x2x1
jax: 0.10.2.dev20260603
libtpu: 0.0.44.dev20260713+nightly
codegen_flags: <defaults>
</compile_context>

<pallas_src>
import functools

import jax
import jax.numpy as jnp
from jax import lax
from jax.experimental import pallas as pl
from jax.experimental.pallas import tpu as pltpu
from jax.experimental.pallas import tpu_sc as plsc

_B, _T, _H, _W = 3, 300, 256, 256
_N = 32
_CROWS = 128
_NBUF = 3
_PRO = 2

_CHUNKS = [
    (0, 0, 64), (0, 64, 64), (0, 128, 128),
    (1, 0, 128), (1, 128, 128),
    (2, 0, 128), (2, 128, 64), (2, 192, 64),
]
_NCHUNK = len(_CHUNKS)


def _sc_subsample(x):
    mesh = plsc.VectorSubcoreMesh(core_axis_name="c", subcore_axis_name="s")

    @functools.partial(
        pl.kernel,
        mesh=mesh,
        out_type=jax.ShapeDtypeStruct((_B, _N, _H, _W), jnp.float32),
        scratch_types=[
            pltpu.VMEM((_NBUF, _CROWS, _W), jnp.float32),
            pltpu.SemaphoreType.DMA,
            pltpu.SemaphoreType.DMA,
        ],
    )
    def k(x_hbm, out_hbm, buf, sem_in, sem_out):
        c = lax.axis_index("c")
        s = lax.axis_index("s")
        w = s * 2 + c
        src = lax.div(w * (_T - 1), _N - 1)

        def make_in(u):
            b, r, nr = _CHUNKS[u]
            return pltpu.make_async_copy(
                x_hbm.at[b, src, pl.ds(r, nr)],
                buf.at[u % _NBUF, pl.ds(0, nr)],
                sem_in,
            )

        def make_out(u):
            b, r, nr = _CHUNKS[u]
            return pltpu.make_async_copy(
                buf.at[u % _NBUF, pl.ds(0, nr)],
                out_hbm.at[b, w, pl.ds(r, nr)],
                sem_out,
            )

        ins = [make_in(u) for u in range(_NCHUNK)]
        outs = [make_out(u) for u in range(_NCHUNK)]
        out_waited = [False] * _NCHUNK

        for u in range(_PRO):
            ins[u].start()
        for t in range(_NCHUNK):
            ins[t].wait()
            outs[t].start()
            u = t + _PRO
            if u < _NCHUNK:
                if u - _NBUF >= 0:
                    outs[u - _NBUF].wait()
                    out_waited[u - _NBUF] = True
                ins[u].start()
        for t in range(_NCHUNK):
            if not out_waited[t]:
                outs[t].wait()

    return k(x)


def kernel(x):
    return _sc_subsample(x)

# --- scband reference (transcript-rebuilt; emitter-appended) ---
"""Pipeline reference for scband-uniform-temporal-subsample-5987184411035 (READ-ONLY COPY).

The authoritative reference and input builder live on the scoring server;
editing this copy changes nothing except your own understanding.
"""

import jax, jax.numpy as jnp
import numpy as np

NUM_SAMPLES = 32
TEMPORAL_DIM = -3


def setup_inputs(seed: int = 0) -> dict:
    key = jax.random.key(seed)
    x = jax.random.normal(key, (3, 300, 256, 256), dtype=jnp.float32)
    return {"x": x}


def reference(x):
    # uniform_temporal_subsample: pick NUM_SAMPLES equispaced frames along TEMPORAL_DIM
    t = x.shape[TEMPORAL_DIM]
    indices = jnp.linspace(0, t - 1, NUM_SAMPLES)
    indices = jnp.clip(indices, 0, t - 1).astype(jnp.int32)
    return jnp.take(x, indices, axis=TEMPORAL_DIM)

if __name__ == "__main__":
    import jax
    _d = setup_inputs()
    print(jax.jit(kernel)(*tuple(_d.values())))

</pallas_src>

<mosaic_0001>
#map = affine_map<(d0, d1) -> (0, 0, 0, 0)>
module attributes {stable_mosaic.version = 14 : i64} {
  func.func @k(%arg0: i32, %arg1: i32, %arg2: memref<3x300x256x256xf32, #tpu.memory_space<hbm>>, %arg3: memref<3x32x256x256xf32, #tpu.memory_space<hbm>>, %arg4: memref<3x128x256xf32, #tpu.memory_space<vmem>>, %arg5: memref<!tpu.dma_semaphore, #tpu.memory_space<semaphore_mem>>, %arg6: memref<!tpu.dma_semaphore, #tpu.memory_space<semaphore_mem>>) attributes {dimension_semantics = [#tpu.dimension_semantics<core_parallel>, #tpu.dimension_semantics<subcore_parallel>], iteration_bounds = array<i64: 2, 16>, scalar_prefetch = 0 : i64, scratch_operands = 3 : i64, tpu.core_type = #tpu.core_type<sc_vector_subcore>, window_params = [{transform_indices = #map}, {transform_indices = #map}]} {
    %mul3A = arith.constant 2 : i32
    %mul3A_0 = arith.muli %arg1, %mul3A : i32
    %add3A = arith.addi %mul3A_0, %arg0 : i32
    %mul3A_1 = arith.constant 299 : i32
    %mul3A_2 = arith.muli %add3A, %mul3A_1 : i32
    %div3A = arith.constant 31 : i32
    %div3A_3 = arith.divsi %mul3A_2, %div3A : i32
    %dma_start3A = arith.constant 0 : i32
    %dma_start3A_4 = arith.constant 0 : i32
    %dma_start3A_5 = arith.constant 0 : i32
    %dma_start3A_6 = arith.constant 0 : i32
    %dma_start3A_7 = tpu.memref_slice %arg4[%dma_start3A_4, %dma_start3A_5, %dma_start3A_6] : memref<3x128x256xf32, #tpu.memory_space<vmem>> -> memref<1x64x256xf32, #tpu.memory_space<vmem>>
    %dma_start3A_8 = tpu.memref_squeeze %dma_start3A_7 : memref<1x64x256xf32, #tpu.memory_space<vmem>> -> memref<64x256xf32, #tpu.memory_space<vmem>>
    %dma_start3A_9 = arith.constant 0 : i32
    %dma_start3A_10 = arith.constant 0 : i32
    %dma_start3A_11 = tpu.memref_slice %arg2[%dma_start3A, %div3A_3, %dma_start3A_9, %dma_start3A_10] : memref<3x300x256x256xf32, #tpu.memory_space<hbm>> -> memref<1x1x64x256xf32, #tpu.memory_space<hbm>>
    %dma_start3A_12 = tpu.memref_squeeze %dma_start3A_11 : memref<1x1x64x256xf32, #tpu.memory_space<hbm>> -> memref<64x256xf32, #tpu.memory_space<hbm>>
    %dma_start3A_13 = arith.constant 0 : i32
    %dma_start3A_14 = arith.constant 0 : i32
    %dma_start3A_15 = tpu.memref_slice %arg4[%dma_start3A_4, %dma_start3A_13, %dma_start3A_14] : memref<3x128x256xf32, #tpu.memory_space<vmem>> -> memref<1x64x256xf32, #tpu.memory_space<vmem>>
    %dma_start3A_16 = tpu.memref_squeeze %dma_start3A_15 : memref<1x64x256xf32, #tpu.memory_space<vmem>> -> memref<64x256xf32, #tpu.memory_space<vmem>>
    %dma_start3A_17 = arith.constant 0 : i32
    %dma_start3A_18 = arith.constant 0 : i32
    %dma_start3A_19 = tpu.memref_slice %arg2[%dma_start3A, %div3A_3, %dma_start3A_17, %dma_start3A_18] : memref<3x300x256x256xf32, #tpu.memory_space<hbm>> -> memref<1x1x64x256xf32, #tpu.memory_space<hbm>>
    %dma_start3A_20 = tpu.memref_squeeze %dma_start3A_19 : memref<1x1x64x256xf32, #tpu.memory_space<hbm>> -> memref<64x256xf32, #tpu.memory_space<hbm>>
    tpu.enqueue_dma source(%dma_start3A_20 : memref<64x256xf32, #tpu.memory_space<hbm>>) target(%dma_start3A_16 : memref<64x256xf32, #tpu.memory_space<vmem>>) target_semaphore(%arg5 : memref<!tpu.dma_semaphore, #tpu.memory_space<semaphore_mem>>)
    %dma_start3A_21 = arith.constant 0 : i32
    %dma_start3A_22 = arith.constant 1 : i32
    %dma_start3A_23 = arith.constant 0 : i32
    %dma_start3A_24 = arith.constant 0 : i32
    %dma_start3A_25 = tpu.memref_slice %arg4[%dma_start3A_22, %dma_start3A_23, %dma_start3A_24] : memref<3x128x256xf32, #tpu.memory_space<vmem>> -> memref<1x64x256xf32, #tpu.memory_space<vmem>>
    %dma_start3A_26 = tpu.memref_squeeze %dma_start3A_25 : memref<1x64x256xf32, #tpu.memory_space<vmem>> -> memref<64x256xf32, #tpu.memory_space<vmem>>
    %dma_start3A_27 = arith.constant 64 : i32
    %dma_start3A_28 = arith.constant 0 : i32
    %dma_start3A_29 = tpu.memref_slice %arg2[%dma_start3A_21, %div3A_3, %dma_start3A_27, %dma_start3A_28] : memref<3x300x256x256xf32, #tpu.memory_space<hbm>> -> memref<1x1x64x256xf32, #tpu.memory_space<hbm>>
    %dma_start3A_30 = tpu.memref_squeeze %dma_start3A_29 : memref<1x1x64x256xf32, #tpu.memory_space<hbm>> -> memref<64x256xf32, #tpu.memory_space<hbm>>
    %dma_start3A_31 = arith.constant 0 : i32
    %dma_start3A_32 = arith.constant 0 : i32
    %dma_start3A_33 = tpu.memref_slice %arg4[%dma_start3A_22, %dma_start3A_31, %dma_start3A_32] : memref<3x128x256xf32, #tpu.memory_space<vmem>> -> memref<1x64x256xf32, #tpu.memory_space<vmem>>
    %dma_start3A_34 = tpu.memref_squeeze %dma_start3A_33 : memref<1x64x256xf32, #tpu.memory_space<vmem>> -> memref<64x256xf32, #tpu.memory_space<vmem>>
    %dma_start3A_35 = arith.constant 64 : i32
    %dma_start3A_36 = arith.constant 0 : i32
    %dma_start3A_37 = tpu.memref_slice %arg2[%dma_start3A_21, %div3A_3, %dma_start3A_35, %dma_start3A_36] : memref<3x300x256x256xf32, #tpu.memory_space<hbm>> -> memref<1x1x64x256xf32, #tpu.memory_space<hbm>>
    %dma_start3A_38 = tpu.memref_squeeze %dma_start3A_37 : memref<1x1x64x256xf32, #tpu.memory_space<hbm>> -> memref<64x256xf32, #tpu.memory_space<hbm>>
    tpu.enqueue_dma source(%dma_start3A_38 : memref<64x256xf32, #tpu.memory_space<hbm>>) target(%dma_start3A_34 : memref<64x256xf32, #tpu.memory_space<vmem>>) target_semaphore(%arg5 : memref<!tpu.dma_semaphore, #tpu.memory_space<semaphore_mem>>)
    %dma_wait3A = arith.constant 0 : i32
    %dma_wait3A_39 = arith.constant 0 : i32
    %dma_wait3A_40 = arith.constant 0 : i32
    %dma_wait3A_41 = arith.constant 0 : i32
    %dma_wait3A_42 = tpu.memref_slice %arg4[%dma_wait3A_39, %dma_wait3A_40, %dma_wait3A_41] : memref<3x128x256xf32, #tpu.memory_space<vmem>> -> memref<1x64x256xf32, #tpu.memory_space<vmem>>
    %dma_wait3A_43 = tpu.memref_squeeze %dma_wait3A_42 : memref<1x64x256xf32, #tpu.memory_space<vmem>> -> memref<64x256xf32, #tpu.memory_space<vmem>>
    %dma_wait3A_44 = arith.constant 0 : i32
    %dma_wait3A_45 = arith.constant 0 : i32
    %dma_wait3A_46 = tpu.memref_slice %arg2[%dma_wait3A, %div3A_3, %dma_wait3A_44, %dma_wait3A_45] : memref<3x300x256x256xf32, #tpu.memory_space<hbm>> -> memref<1x1x64x256xf32, #tpu.memory_space<hbm>>
    %dma_wait3A_47 = tpu.memref_squeeze %dma_wait3A_46 : memref<1x1x64x256xf32, #tpu.memory_space<hbm>> -> memref<64x256xf32, #tpu.memory_space<hbm>>
    %dma_wait3A_48 = arith.constant 0 : i32
    %dma_wait3A_49 = arith.constant 0 : i32
    %dma_wait3A_50 = tpu.memref_slice %arg4[%dma_wait3A_39, %dma_wait3A_48, %dma_wait3A_49] : memref<3x128x256xf32, #tpu.memory_space<vmem>> -> memref<1x64x256xf32, #tpu.memory_space<vmem>>
    %dma_wait3A_51 = tpu.memref_squeeze %dma_wait3A_50 : memref<1x64x256xf32, #tpu.memory_space<vmem>> -> memref<64x256xf32, #tpu.memory_space<vmem>>
    %dma_wait3A_52 = arith.constant 0 : i32
    %dma_wait3A_53 = arith.constant 0 : i32
    %dma_wait3A_54 = tpu.memref_slice %arg2[%dma_wait3A, %div3A_3, %dma_wait3A_52, %dma_wait3A_53] : memref<3x300x256x256xf32, #tpu.memory_space<hbm>> -> memref<1x1x64x256xf32, #tpu.memory_space<hbm>>
    %dma_wait3A_55 = tpu.memref_squeeze %dma_wait3A_54 : memref<1x1x64x256xf32, #tpu.memory_space<hbm>> -> memref<64x256xf32, #tpu.memory_space<hbm>>
    tpu.wait_dma2 semaphore(%arg5 : memref<!tpu.dma_semaphore, #tpu.memory_space<semaphore_mem>>) src(%dma_wait3A_55 : memref<64x256xf32, #tpu.memory_space<hbm>>) dst(%dma_wait3A_51 : memref<64x256xf32, #tpu.memory_space<vmem>>)
    %dma_start3A_56 = arith.constant 0 : i32
    %dma_start3A_57 = arith.constant 0 : i32
    %dma_start3A_58 = arith.constant 0 : i32
    %dma_start3A_59 = arith.constant 0 : i32
    %dma_start3A_60 = tpu.memref_slice %arg4[%dma_start3A_56, %dma_start3A_58, %dma_start3A_59] : memref<3x128x256xf32, #tpu.memory_space<vmem>> -> memref<1x64x256xf32, #tpu.memory_space<vmem>>
    %dma_start3A_61 = tpu.memref_squeeze %dma_start3A_60 : memref<1x64x256xf32, #tpu.memory_space<vmem>> -> memref<64x256xf32, #tpu.memory_space<vmem>>
    %dma_start3A_62 = arith.constant 0 : i32
    %dma_start3A_63 = arith.constant 0 : i32
    %dma_start3A_64 = tpu.memref_slice %arg3[%dma_start3A_57, %add3A, %dma_start3A_62, %dma_start3A_63] : memref<3x32x256x256xf32, #tpu.memory_space<hbm>> -> memref<1x1x64x256xf32, #tpu.memory_space<hbm>>
    %dma_start3A_65 = tpu.memref_squeeze %dma_start3A_64 : memref<1x1x64x256xf32, #tpu.memory_space<hbm>> -> memref<64x256xf32, #tpu.memory_space<hbm>>
    %dma_start3A_66 = arith.constant 0 : i32
    %dma_start3A_67 = arith.constant 0 : i32
    %dma_start3A_68 = tpu.memref_slice %arg3[%dma_start3A_57, %add3A, %dma_start3A_66, %dma_start3A_67] : memref<3x32x256x256xf32, #tpu.memory_space<hbm>> -> memref<1x1x64x256xf32, #tpu.memory_space<hbm>>
    %dma_start3A_69 = tpu.memref_squeeze %dma_start3A_68 : memref<1x1x64x256xf32, #tpu.memory_space<hbm>> -> memref<64x256xf32, #tpu.memory_space<hbm>>
    %dma_start3A_70 = arith.constant 0 : i32
    %dma_start3A_71 = arith.constant 0 : i32
    %dma_start3A_72 = tpu.memref_slice %arg4[%dma_start3A_56, %dma_start3A_70, %dma_start3A_71] : memref<3x128x256xf32, #tpu.memory_space<vmem>> -> memref<1x64x256xf32, #tpu.memory_space<vmem>>
    %dma_start3A_73 = tpu.memref_squeeze %dma_start3A_72 : memref<1x64x256xf32, #tpu.memory_space<vmem>> -> memref<64x256xf32, #tpu.memory_space<vmem>>
    tpu.enqueue_dma source(%dma_start3A_73 : memref<64x256xf32, #tpu.memory_space<vmem>>) target(%dma_start3A_69 : memref<64x256xf32, #tpu.memory_space<hbm>>) target_semaphore(%arg6 : memref<!tpu.dma_semaphore, #tpu.memory_space<semaphore_mem>>)
    %dma_start3A_74 = arith.constant 0 : i32
    %dma_start3A_75 = arith.constant 2 : i32
    %dma_start3A_76 = arith.constant 0 : i32
    %dma_start3A_77 = arith.constant 0 : i32
    %dma_start3A_78 = tpu.memref_slice %arg4[%dma_start3A_75, %dma_start3A_76, %dma_start3A_77] : memref<3x128x256xf32, #tpu.memory_space<vmem>> -> memref<1x128x256xf32, #tpu.memory_space<vmem>>
    %dma_start3A_79 = tpu.memref_squeeze %dma_start3A_78 : memref<1x128x256xf32, #tpu.memory_space<vmem>> -> memref<128x256xf32, #tpu.memory_space<vmem>>
    %dma_start3A_80 = arith.constant 128 : i32
    %dma_start3A_81 = arith.constant 0 : i32
    %dma_start3A_82 = tpu.memref_slice %arg2[%dma_start3A_74, %div3A_3, %dma_start3A_80, %dma_start3A_81] : memref<3x300x256x256xf32, #tpu.memory_space<hbm>> -> memref<1x1x128x256xf32, #tpu.memory_space<hbm>>
    %dma_start3A_83 = tpu.memref_squeeze %dma_start3A_82 : memref<1x1x128x256xf32, #tpu.memory_space<hbm>> -> memref<128x256xf32, #tpu.memory_space<hbm>>
    %dma_start3A_84 = arith.constant 0 : i32
    %dma_start3A_85 = arith.constant 0 : i32
    %dma_start3A_86 = tpu.memref_slice %arg4[%dma_start3A_75, %dma_start3A_84, %dma_start3A_85] : memref<3x128x256xf32, #tpu.memory_space<vmem>> -> memref<1x128x256xf32, #tpu.memory_space<vmem>>
    %dma_start3A_87 = tpu.memref_squeeze %dma_start3A_86 : memref<1x128x256xf32, #tpu.memory_space<vmem>> -> memref<128x256xf32, #tpu.memory_space<vmem>>
    %dma_start3A_88 = arith.constant 128 : i32
    %dma_start3A_89 = arith.constant 0 : i32
    %dma_start3A_90 = tpu.memref_slice %arg2[%dma_start3A_74, %div3A_3, %dma_start3A_88, %dma_start3A_89] : memref<3x300x256x256xf32, #tpu.memory_space<hbm>> -> memref<1x1x128x256xf32, #tpu.memory_space<hbm>>
    %dma_start3A_91 = tpu.memref_squeeze %dma_start3A_90 : memref<1x1x128x256xf32, #tpu.memory_space<hbm>> -> memref<128x256xf32, #tpu.memory_space<hbm>>
    tpu.enqueue_dma source(%dma_start3A_91 : memref<128x256xf32, #tpu.memory_space<hbm>>) target(%dma_start3A_87 : memref<128x256xf32, #tpu.memory_space<vmem>>) target_semaphore(%arg5 : memref<!tpu.dma_semaphore, #tpu.memory_space<semaphore_mem>>)
    %dma_wait3A_92 = arith.constant 0 : i32
    %dma_wait3A_93 = arith.constant 1 : i32
    %dma_wait3A_94 = arith.constant 0 : i32
    %dma_wait3A_95 = arith.constant 0 : i32
    %dma_wait3A_96 = tpu.memref_slice %arg4[%dma_wait3A_93, %dma_wait3A_94, %dma_wait3A_95] : memref<3x128x256xf32, #tpu.memory_space<vmem>> -> memref<1x64x256xf32, #tpu.memory_space<vmem>>
    %dma_wait3A_97 = tpu.memref_squeeze %dma_wait3A_96 : memref<1x64x256xf32, #tpu.memory_space<vmem>> -> memref<64x256xf32, #tpu.memory_space<vmem>>
    %dma_wait3A_98 = arith.constant 64 : i32
    %dma_wait3A_99 = arith.constant 0 : i32
    %dma_wait3A_100 = tpu.memref_slice %arg2[%dma_wait3A_92, %div3A_3, %dma_wait3A_98, %dma_wait3A_99] : memref<3x300x256x256xf32, #tpu.memory_space<hbm>> -> memref<1x1x64x256xf32, #tpu.memory_space<hbm>>
    %dma_wait3A_101 = tpu.memref_squeeze %dma_wait3A_100 : memref<1x1x64x256xf32, #tpu.memory_space<hbm>> -> memref<64x256xf32, #tpu.memory_space<hbm>>
    %dma_wait3A_102 = arith.constant 0 : i32
    %dma_wait3A_103 = arith.constant 0 : i32
    %dma_wait3A_104 = tpu.memref_slice %arg4[%dma_wait3A_93, %dma_wait3A_102, %dma_wait3A_103] : memref<3x128x256xf32, #tpu.memory_space<vmem>> -> memref<1x64x256xf32, #tpu.memory_space<vmem>>
    %dma_wait3A_105 = tpu.memref_squeeze %dma_wait3A_104 : memref<1x64x256xf32, #tpu.memory_space<vmem>> -> memref<64x256xf32, #tpu.memory_space<vmem>>
    %dma_wait3A_106 = arith.constant 64 : i32
    %dma_wait3A_107 = arith.constant 0 : i32
    %dma_wait3A_108 = tpu.memref_slice %arg2[%dma_wait3A_92, %div3A_3, %dma_wait3A_106, %dma_wait3A_107] : memref<3x300x256x256xf32, #tpu.memory_space<hbm>> -> memref<1x1x64x256xf32, #tpu.memory_space<hbm>>
    %dma_wait3A_109 = tpu.memref_squeeze %dma_wait3A_108 : memref<1x1x64x256xf32, #tpu.memory_space<hbm>> -> memref<64x256xf32, #tpu.memory_space<hbm>>
    tpu.wait_dma2 semaphore(%arg5 : memref<!tpu.dma_semaphore, #tpu.memory_space<semaphore_mem>>) src(%dma_wait3A_109 : memref<64x256xf32, #tpu.memory_space<hbm>>) dst(%dma_wait3A_105 : memref<64x256xf32, #tpu.memory_space<vmem>>)
    %dma_start3A_110 = arith.constant 1 : i32
    %dma_start3A_111 = arith.constant 0 : i32
    %dma_start3A_112 = arith.constant 0 : i32
    %dma_start3A_113 = arith.constant 0 : i32
    %dma_start3A_114 = tpu.memref_slice %arg4[%dma_start3A_110, %dma_start3A_112, %dma_start3A_113] : memref<3x128x256xf32, #tpu.memory_space<vmem>> -> memref<1x64x256xf32, #tpu.memory_space<vmem>>
    %dma_start3A_115 = tpu.memref_squeeze %dma_start3A_114 : memref<1x64x256xf32, #tpu.memory_space<vmem>> -> memref<64x256xf32, #tpu.memory_space<vmem>>
    %dma_start3A_116 = arith.constant 64 : i32
    %dma_start3A_117 = arith.constant 0 : i32
    %dma_start3A_118 = tpu.memref_slice %arg3[%dma_start3A_111, %add3A, %dma_start3A_116, %dma_start3A_117] : memref<3x32x256x256xf32, #tpu.memory_space<hbm>> -> memref<1x1x64x256xf32, #tpu.memory_space<hbm>>
    %dma_start3A_119 = tpu.memref_squeeze %dma_start3A_118 : memref<1x1x64x256xf32, #tpu.memory_space<hbm>> -> memref<64x256xf32, #tpu.memory_space<hbm>>
    %dma_start3A_120 = arith.constant 64 : i32
    %dma_start3A_121 = arith.constant 0 : i32
    %dma_start3A_122 = tpu.memref_slice %arg3[%dma_start3A_111, %add3A, %dma_start3A_120, %dma_start3A_121] : memref<3x32x256x256xf32, #tpu.memory_space<hbm>> -> memref<1x1x64x256xf32, #tpu.memory_space<hbm>>
    %dma_start3A_123 = tpu.memref_squeeze %dma_start3A_122 : memref<1x1x64x256xf32, #tpu.memory_space<hbm>> -> memref<64x256xf32, #tpu.memory_space<hbm>>
    %dma_start3A_124 = arith.constant 0 : i32
    %dma_start3A_125 = arith.constant 0 : i32
    %dma_start3A_126 = tpu.memref_slice %arg4[%dma_start3A_110, %dma_start3A_124, %dma_start3A_125] : memref<3x128x256xf32, #tpu.memory_space<vmem>> -> memref<1x64x256xf32, #tpu.memory_space<vmem>>
    %dma_start3A_127 = tpu.memref_squeeze %dma_start3A_126 : memref<1x64x256xf32, #tpu.memory_space<vmem>> -> memref<64x256xf32, #tpu.memory_space<vmem>>
    tpu.enqueue_dma source(%dma_start3A_127 : memref<64x256xf32, #tpu.memory_space<vmem>>) target(%dma_start3A_123 : memref<64x256xf32, #tpu.memory_space<hbm>>) target_semaphore(%arg6 : memref<!tpu.dma_semaphore, #tpu.memory_space<semaphore_mem>>)
    %dma_wait3A_128 = arith.constant 0 : i32
    %dma_wait3A_129 = arith.constant 0 : i32
    %dma_wait3A_130 = arith.constant 0 : i32
    %dma_wait3A_131 = arith.constant 0 : i32
    %dma_wait3A_132 = tpu.memref_slice %arg4[%dma_wait3A_128, %dma_wait3A_130, %dma_wait3A_131] : memref<3x128x256xf32, #tpu.memory_space<vmem>> -> memref<1x64x256xf32, #tpu.memory_space<vmem>>
    %dma_wait3A_133 = tpu.memref_squeeze %dma_wait3A_132 : memref<1x64x256xf32, #tpu.memory_space<vmem>> -> memref<64x256xf32, #tpu.memory_space<vmem>>
    %dma_wait3A_134 = arith.constant 0 : i32
    %dma_wait3A_135 = arith.constant 0 : i32
    %dma_wait3A_136 = tpu.memref_slice %arg3[%dma_wait3A_129, %add3A, %dma_wait3A_134, %dma_wait3A_135] : memref<3x32x256x256xf32, #tpu.memory_space<hbm>> -> memref<1x1x64x256xf32, #tpu.memory_space<hbm>>
    %dma_wait3A_137 = tpu.memref_squeeze %dma_wait3A_136 : memref<1x1x64x256xf32, #tpu.memory_space<hbm>> -> memref<64x256xf32, #tpu.memory_space<hbm>>
    %dma_wait3A_138 = arith.constant 0 : i32
    %dma_wait3A_139 = arith.constant 0 : i32
    %dma_wait3A_140 = tpu.memref_slice %arg3[%dma_wait3A_129, %add3A, %dma_wait3A_138, %dma_wait3A_139] : memref<3x32x256x256xf32, #tpu.memory_space<hbm>> -> memref<1x1x64x256xf32, #tpu.memory_space<hbm>>
    %dma_wait3A_141 = tpu.memref_squeeze %dma_wait3A_140 : memref<1x1x64x256xf32, #tpu.memory_space<hbm>> -> memref<64x256xf32, #tpu.memory_space<hbm>>
    %dma_wait3A_142 = arith.constant 0 : i32
    %dma_wait3A_143 = arith.constant 0 : i32
    %dma_wait3A_144 = tpu.memref_slice %arg4[%dma_wait3A_128, %dma_wait3A_142, %dma_wait3A_143] : memref<3x128x256xf32, #tpu.memory_space<vmem>> -> memref<1x64x256xf32, #tpu.memory_space<vmem>>
    %dma_wait3A_145 = tpu.memref_squeeze %dma_wait3A_144 : memref<1x64x256xf32, #tpu.memory_space<vmem>> -> memref<64x256xf32, #tpu.memory_space<vmem>>
    tpu.wait_dma2 semaphore(%arg6 : memref<!tpu.dma_semaphore, #tpu.memory_space<semaphore_mem>>) src(%dma_wait3A_145 : memref<64x256xf32, #tpu.memory_space<vmem>>) dst(%dma_wait3A_141 : memref<64x256xf32, #tpu.memory_space<hbm>>)
    %dma_start3A_146 = arith.constant 1 : i32
    %dma_start3A_147 = arith.constant 0 : i32
    %dma_start3A_148 = arith.constant 0 : i32
    %dma_start3A_149 = arith.constant 0 : i32
    %dma_start3A_150 = tpu.memref_slice %arg4[%dma_start3A_147, %dma_start3A_148, %dma_start3A_149] : memref<3x128x256xf32, #tpu.memory_space<vmem>> -> memref<1x128x256xf32, #tpu.memory_space<vmem>>
    %dma_start3A_151 = tpu.memref_squeeze %dma_start3A_150 : memref<1x128x256xf32, #tpu.memory_space<vmem>> -> memref<128x256xf32, #tpu.memory_space<vmem>>
    %dma_start3A_152 = arith.constant 0 : i32
    %dma_start3A_153 = arith.constant 0 : i32
    %dma_start3A_154 = tpu.memref_slice %arg2[%dma_start3A_146, %div3A_3, %dma_start3A_152, %dma_start3A_153] : memref<3x300x256x256xf32, #tpu.memory_space<hbm>> -> memref<1x1x128x256xf32, #tpu.memory_space<hbm>>
    %dma_start3A_155 = tpu.memref_squeeze %dma_start3A_154 : memref<1x1x128x256xf32, #tpu.memory_space<hbm>> -> memref<128x256xf32, #tpu.memory_space<hbm>>
    %dma_start3A_156 = arith.constant 0 : i32
    %dma_start3A_157 = arith.constant 0 : i32
    %dma_start3A_158 = tpu.memref_slice %arg4[%dma_start3A_147, %dma_start3A_156, %dma_start3A_157] : memref<3x128x256xf32, #tpu.memory_space<vmem>> -> memref<1x128x256xf32, #tpu.memory_space<vmem>>
    %dma_start3A_159 = tpu.memref_squeeze %dma_start3A_158 : memref<1x128x256xf32, #tpu.memory_space<vmem>> -> memref<128x256xf32, #tpu.memory_space<vmem>>
    %dma_start3A_160 = arith.constant 0 : i32
    %dma_start3A_161 = arith.constant 0 : i32
    %dma_start3A_162 = tpu.memref_slice %arg2[%dma_start3A_146, %div3A_3, %dma_start3A_160, %dma_start3A_161] : memref<3x300x256x256xf32, #tpu.memory_space<hbm>> -> memref<1x1x128x256xf32, #tpu.memory_space<hbm>>
    %dma_start3A_163 = tpu.memref_squeeze %dma_start3A_162 : memref<1x1x128x256xf32, #tpu.memory_space<hbm>> -> memref<128x256xf32, #tpu.memory_space<hbm>>
    tpu.enqueue_dma source(%dma_start3A_163 : memref<128x256xf32, #tpu.memory_space<hbm>>) target(%dma_start3A_159 : memref<128x256xf32, #tpu.memory_space<vmem>>) target_semaphore(%arg5 : memref<!tpu.dma_semaphore, #tpu.memory_space<semaphore_mem>>)
    %dma_wait3A_164 = arith.constant 0 : i32
    %dma_wait3A_165 = arith.constant 2 : i32
    %dma_wait3A_166 = arith.constant 0 : i32
    %dma_wait3A_167 = arith.constant 0 : i32
    %dma_wait3A_168 = tpu.memref_slice %arg4[%dma_wait3A_165, %dma_wait3A_166, %dma_wait3A_167] : memref<3x128x256xf32, #tpu.memory_space<vmem>> -> memref<1x128x256xf32, #tpu.memory_space<vmem>>
    %dma_wait3A_169 = tpu.memref_squeeze %dma_wait3A_168 : memref<1x128x256xf32, #tpu.memory_space<vmem>> -> memref<128x256xf32, #tpu.memory_space<vmem>>
    %dma_wait3A_170 = arith.constant 128 : i32
    %dma_wait3A_171 = arith.constant 0 : i32
    %dma_wait3A_172 = tpu.memref_slice %arg2[%dma_wait3A_164, %div3A_3, %dma_wait3A_170, %dma_wait3A_171] : memref<3x300x256x256xf32, #tpu.memory_space<hbm>> -> memref<1x1x128x256xf32, #tpu.memory_space<hbm>>
    %dma_wait3A_173 = tpu.memref_squeeze %dma_wait3A_172 : memref<1x1x128x256xf32, #tpu.memory_space<hbm>> -> memref<128x256xf32, #tpu.memory_space<hbm>>
    %dma_wait3A_174 = arith.constant 0 : i32
    %dma_wait3A_175 = arith.constant 0 : i32
    %dma_wait3A_176 = tpu.memref_slice %arg4[%dma_wait3A_165, %dma_wait3A_174, %dma_wait3A_175] : memref<3x128x256xf32, #tpu.memory_space<vmem>> -> memref<1x128x256xf32, #tpu.memory_space<vmem>>
    %dma_wait3A_177 = tpu.memref_squeeze %dma_wait3A_176 : memref<1x128x256xf32, #tpu.memory_space<vmem>> -> memref<128x256xf32, #tpu.memory_space<vmem>>
    %dma_wait3A_178 = arith.constant 128 : i32
    %dma_wait3A_179 = arith.constant 0 : i32
    %dma_wait3A_180 = tpu.memref_slice %arg2[%dma_wait3A_164, %div3A_3, %dma_wait3A_178, %dma_wait3A_179] : memref<3x300x256x256xf32, #tpu.memory_space<hbm>> -> memref<1x1x128x256xf32, #tpu.memory_space<hbm>>
    %dma_wait3A_181 = tpu.memref_squeeze %dma_wait3A_180 : memref<1x1x128x256xf32, #tpu.memory_space<hbm>> -> memref<128x256xf32, #tpu.memory_space<hbm>>
    tpu.wait_dma2 semaphore(%arg5 : memref<!tpu.dma_semaphore, #tpu.memory_space<semaphore_mem>>) src(%dma_wait3A_181 : memref<128x256xf32, #tpu.memory_space<hbm>>) dst(%dma_wait3A_177 : memref<128x256xf32, #tpu.memory_space<vmem>>)
    %dma_start3A_182 = arith.constant 2 : i32
    %dma_start3A_183 = arith.constant 0 : i32
    %dma_start3A_184 = arith.constant 0 : i32
    %dma_start3A_185 = arith.constant 0 : i32
    %dma_start3A_186 = tpu.memref_slice %arg4[%dma_start3A_182, %dma_start3A_184, %dma_start3A_185] : memref<3x128x256xf32, #tpu.memory_space<vmem>> -> memref<1x128x256xf32, #tpu.memory_space<vmem>>
    %dma_start3A_187 = tpu.memref_squeeze %dma_start3A_186 : memref<1x128x256xf32, #tpu.memory_space<vmem>> -> memref<128x256xf32, #tpu.memory_space<vmem>>
    %dma_start3A_188 = arith.constant 128 : i32
    %dma_start3A_189 = arith.constant 0 : i32
    %dma_start3A_190 = tpu.memref_slice %arg3[%dma_start3A_183, %add3A, %dma_start3A_188, %dma_start3A_189] : memref<3x32x256x256xf32, #tpu.memory_space<hbm>> -> memref<1x1x128x256xf32, #tpu.memory_space<hbm>>
    %dma_start3A_191 = tpu.memref_squeeze %dma_start3A_190 : memref<1x1x128x256xf32, #tpu.memory_space<hbm>> -> memref<128x256xf32, #tpu.memory_space<hbm>>
    %dma_start3A_192 = arith.constant 128 : i32
    %dma_start3A_193 = arith.constant 0 : i32
    %dma_start3A_194 = tpu.memref_slice %arg3[%dma_start3A_183, %add3A, %dma_start3A_192, %dma_start3A_193] : memref<3x32x256x256xf32, #tpu.memory_space<hbm>> -> memref<1x1x128x256xf32, #tpu.memory_space<hbm>>
    %dma_start3A_195 = tpu.memref_squeeze %dma_start3A_194 : memref<1x1x128x256xf32, #tpu.memory_space<hbm>> -> memref<128x256xf32, #tpu.memory_space<hbm>>
    %dma_start3A_196 = arith.constant 0 : i32
    %dma_start3A_197 = arith.constant 0 : i32
    %dma_start3A_198 = tpu.memref_slice %arg4[%dma_start3A_182, %dma_start3A_196, %dma_start3A_197] : memref<3x128x256xf32, #tpu.memory_space<vmem>> -> memref<1x128x256xf32, #tpu.memory_space<vmem>>
    %dma_start3A_199 = tpu.memref_squeeze %dma_start3A_198 : memref<1x128x256xf32, #tpu.memory_space<vmem>> -> memref<128x256xf32, #tpu.memory_space<vmem>>
    tpu.enqueue_dma source(%dma_start3A_199 : memref<128x256xf32, #tpu.memory_space<vmem>>) target(%dma_start3A_195 : memref<128x256xf32, #tpu.memory_space<hbm>>) target_semaphore(%arg6 : memref<!tpu.dma_semaphore, #tpu.memory_space<semaphore_mem>>)
    %dma_wait3A_200 = arith.constant 1 : i32
    %dma_wait3A_201 = arith.constant 0 : i32
    %dma_wait3A_202 = arith.constant 0 : i32
    %dma_wait3A_203 = arith.constant 0 : i32
    %dma_wait3A_204 = tpu.memref_slice %arg4[%dma_wait3A_200, %dma_wait3A_202, %dma_wait3A_203] : memref<3x128x256xf32, #tpu.memory_space<vmem>> -> memref<1x64x256xf32, #tpu.memory_space<vmem>>
    %dma_wait3A_205 = tpu.memref_squeeze %dma_wait3A_204 : memref<1x64x256xf32, #tpu.memory_space<vmem>> -> memref<64x256xf32, #tpu.memory_space<vmem>>
    %dma_wait3A_206 = arith.constant 64 : i32
    %dma_wait3A_207 = arith.constant 0 : i32
    %dma_wait3A_208 = tpu.memref_slice %arg3[%dma_wait3A_201, %add3A, %dma_wait3A_206, %dma_wait3A_207] : memref<3x32x256x256xf32, #tpu.memory_space<hbm>> -> memref<1x1x64x256xf32, #tpu.memory_space<hbm>>
    %dma_wait3A_209 = tpu.memref_squeeze %dma_wait3A_208 : memref<1x1x64x256xf32, #tpu.memory_space<hbm>> -> memref<64x256xf32, #tpu.memory_space<hbm>>
    %dma_wait3A_210 = arith.constant 64 : i32
    %dma_wait3A_211 = arith.constant 0 : i32
    %dma_wait3A_212 = tpu.memref_slice %arg3[%dma_wait3A_201, %add3A, %dma_wait3A_210, %dma_wait3A_211] : memref<3x32x256x256xf32, #tpu.memory_space<hbm>> -> memref<1x1x64x256xf32, #tpu.memory_space<hbm>>
    %dma_wait3A_213 = tpu.memref_squeeze %dma_wait3A_212 : memref<1x1x64x256xf32, #tpu.memory_space<hbm>> -> memref<64x256xf32, #tpu.memory_space<hbm>>
    %dma_wait3A_214 = arith.constant 0 : i32
    %dma_wait3A_215 = arith.constant 0 : i32
    %dma_wait3A_216 = tpu.memref_slice %arg4[%dma_wait3A_200, %dma_wait3A_214, %dma_wait3A_215] : memref<3x128x256xf32, #tpu.memory_space<vmem>> -> memref<1x64x256xf32, #tpu.memory_space<vmem>>
    %dma_wait3A_217 = tpu.memref_squeeze %dma_wait3A_216 : memref<1x64x256xf32, #tpu.memory_space<vmem>> -> memref<64x256xf32, #tpu.memory_space<vmem>>
    tpu.wait_dma2 semaphore(%arg6 : memref<!tpu.dma_semaphore, #tpu.memory_space<semaphore_mem>>) src(%dma_wait3A_217 : memref<64x256xf32, #tpu.memory_space<vmem>>) dst(%dma_wait3A_213 : memref<64x256xf32, #tpu.memory_space<hbm>>)
    %dma_start3A_218 = arith.constant 1 : i32
    %dma_start3A_219 = arith.constant 1 : i32
    %dma_start3A_220 = arith.constant 0 : i32
    %dma_start3A_221 = arith.constant 0 : i32
    %dma_start3A_222 = tpu.memref_slice %arg4[%dma_start3A_219, %dma_start3A_220, %dma_start3A_221] : memref<3x128x256xf32, #tpu.memory_space<vmem>> -> memref<1x128x256xf32, #tpu.memory_space<vmem>>
    %dma_start3A_223 = tpu.memref_squeeze %dma_start3A_222 : memref<1x128x256xf32, #tpu.memory_space<vmem>> -> memref<128x256xf32, #tpu.memory_space<vmem>>
    %dma_start3A_224 = arith.constant 128 : i32
    %dma_start3A_225 = arith.constant 0 : i32
    %dma_start3A_226 = tpu.memref_slice %arg2[%dma_start3A_218, %div3A_3, %dma_start3A_224, %dma_start3A_225] : memref<3x300x256x256xf32, #tpu.memory_space<hbm>> -> memref<1x1x128x256xf32, #tpu.memory_space<hbm>>
    %dma_start3A_227 = tpu.memref_squeeze %dma_start3A_226 : memref<1x1x128x256xf32, #tpu.memory_space<hbm>> -> memref<128x256xf32, #tpu.memory_space<hbm>>
    %dma_start3A_228 = arith.constant 0 : i32
    %dma_start3A_229 = arith.constant 0 : i32
    %dma_start3A_230 = tpu.memref_slice %arg4[%dma_start3A_219, %dma_start3A_228, %dma_start3A_229] : memref<3x128x256xf32, #tpu.memory_space<vmem>> -> memref<1x128x256xf32, #tpu.memory_space<vmem>>
    %dma_start3A_231 = tpu.memref_squeeze %dma_start3A_230 : memref<1x128x256xf32, #tpu.memory_space<vmem>> -> memref<128x256xf32, #tpu.memory_space<vmem>>
    %dma_start3A_232 = arith.constant 128 : i32
    %dma_start3A_233 = arith.constant 0 : i32
    %dma_start3A_234 = tpu.memref_slice %arg2[%dma_start3A_218, %div3A_3, %dma_start3A_232, %dma_start3A_233] : memref<3x300x256x256xf32, #tpu.memory_space<hbm>> -> memref<1x1x128x256xf32, #tpu.memory_space<hbm>>
    %dma_start3A_235 = tpu.memref_squeeze %dma_start3A_234 : memref<1x1x128x256xf32, #tpu.memory_space<hbm>> -> memref<128x256xf32, #tpu.memory_space<hbm>>
    tpu.enqueue_dma source(%dma_start3A_235 : memref<128x256xf32, #tpu.memory_space<hbm>>) target(%dma_start3A_231 : memref<128x256xf32, #tpu.memory_space<vmem>>) target_semaphore(%arg5 : memref<!tpu.dma_semaphore, #tpu.memory_space<semaphore_mem>>)
    %dma_wait3A_236 = arith.constant 1 : i32
    %dma_wait3A_237 = arith.constant 0 : i32
    %dma_wait3A_238 = arith.constant 0 : i32
    %dma_wait3A_239 = arith.constant 0 : i32
    %dma_wait3A_240 = tpu.memref_slice %arg4[%dma_wait3A_237, %dma_wait3A_238, %dma_wait3A_239] : memref<3x128x256xf32, #tpu.memory_space<vmem>> -> memref<1x128x256xf32, #tpu.memory_space<vmem>>
    %dma_wait3A_241 = tpu.memref_squeeze %dma_wait3A_240 : memref<1x128x256xf32, #tpu.memory_space<vmem>> -> memref<128x256xf32, #tpu.memory_space<vmem>>
    %dma_wait3A_242 = arith.constant 0 : i32
    %dma_wait3A_243 = arith.constant 0 : i32
    %dma_wait3A_244 = tpu.memref_slice %arg2[%dma_wait3A_236, %div3A_3, %dma_wait3A_242, %dma_wait3A_243] : memref<3x300x256x256xf32, #tpu.memory_space<hbm>> -> memref<1x1x128x256xf32, #tpu.memory_space<hbm>>
    %dma_wait3A_245 = tpu.memref_squeeze %dma_wait3A_244 : memref<1x1x128x256xf32, #tpu.memory_space<hbm>> -> memref<128x256xf32, #tpu.memory_space<hbm>>
    %dma_wait3A_246 = arith.constant 0 : i32
    %dma_wait3A_247 = arith.constant 0 : i32
    %dma_wait3A_248 = tpu.memref_slice %arg4[%dma_wait3A_237, %dma_wait3A_246, %dma_wait3A_247] : memref<3x128x256xf32, #tpu.memory_space<vmem>> -> memref<1x128x256xf32, #tpu.memory_space<vmem>>
    %dma_wait3A_249 = tpu.memref_squeeze %dma_wait3A_248 : memref<1x128x256xf32, #tpu.memory_space<vmem>> -> memref<128x256xf32, #tpu.memory_space<vmem>>
    %dma_wait3A_250 = arith.constant 0 : i32
    %dma_wait3A_251 = arith.constant 0 : i32
    %dma_wait3A_252 = tpu.memref_slice %arg2[%dma_wait3A_236, %div3A_3, %dma_wait3A_250, %dma_wait3A_251] : memref<3x300x256x256xf32, #tpu.memory_space<hbm>> -> memref<1x1x128x256xf32, #tpu.memory_space<hbm>>
    %dma_wait3A_253 = tpu.memref_squeeze %dma_wait3A_252 : memref<1x1x128x256xf32, #tpu.memory_space<hbm>> -> memref<128x256xf32, #tpu.memory_space<hbm>>
    tpu.wait_dma2 semaphore(%arg5 : memref<!tpu.dma_semaphore, #tpu.memory_space<semaphore_mem>>) src(%dma_wait3A_253 : memref<128x256xf32, #tpu.memory_space<hbm>>) dst(%dma_wait3A_249 : memref<128x256xf32, #tpu.memory_space<vmem>>)
    %dma_start3A_254 = arith.constant 0 : i32
    %dma_start3A_255 = arith.constant 1 : i32
    %dma_start3A_256 = arith.constant 0 : i32
    %dma_start3A_257 = arith.constant 0 : i32
    %dma_start3A_258 = tpu.memref_slice %arg4[%dma_start3A_254, %dma_start3A_256, %dma_start3A_257] : memref<3x128x256xf32, #tpu.memory_space<vmem>> -> memref<1x128x256xf32, #tpu.memory_space<vmem>>
    %dma_start3A_259 = tpu.memref_squeeze %dma_start3A_258 : memref<1x128x256xf32, #tpu.memory_space<vmem>> -> memref<128x256xf32, #tpu.memory_space<vmem>>
    %dma_start3A_260 = arith.constant 0 : i32
    %dma_start3A_261 = arith.constant 0 : i32
    %dma_start3A_262 = tpu.memref_slice %arg3[%dma_start3A_255, %add3A, %dma_start3A_260, %dma_start3A_261] : memref<3x32x256x256xf32, #tpu.memory_space<hbm>> -> memref<1x1x128x256xf32, #tpu.memory_space<hbm>>
    %dma_start3A_263 = tpu.memref_squeeze %dma_start3A_262 : memref<1x1x128x256xf32, #tpu.memory_space<hbm>> -> memref<128x256xf32, #tpu.memory_space<hbm>>
    %dma_start3A_264 = arith.constant 0 : i32
    %dma_start3A_265 = arith.constant 0 : i32
    %dma_start3A_266 = tpu.memref_slice %arg3[%dma_start3A_255, %add3A, %dma_start3A_264, %dma_start3A_265] : memref<3x32x256x256xf32, #tpu.memory_space<hbm>> -> memref<1x1x128x256xf32, #tpu.memory_space<hbm>>
    %dma_start3A_267 = tpu.memref_squeeze %dma_start3A_266 : memref<1x1x128x256xf32, #tpu.memory_space<hbm>> -> memref<128x256xf32, #tpu.memory_space<hbm>>
    %dma_start3A_268 = arith.constant 0 : i32
    %dma_start3A_269 = arith.constant 0 : i32
    %dma_start3A_270 = tpu.memref_slice %arg4[%dma_start3A_254, %dma_start3A_268, %dma_start3A_269] : memref<3x128x256xf32, #tpu.memory_space<vmem>> -> memref<1x128x256xf32, #tpu.memory_space<vmem>>
    %dma_start3A_271 = tpu.memref_squeeze %dma_start3A_270 : memref<1x128x256xf32, #tpu.memory_space<vmem>> -> memref<128x256xf32, #tpu.memory_space<vmem>>
    tpu.enqueue_dma source(%dma_start3A_271 : memref<128x256xf32, #tpu.memory_space<vmem>>) target(%dma_start3A_267 : memref<128x256xf32, #tpu.memory_space<hbm>>) target_semaphore(%arg6 : memref<!tpu.dma_semaphore, #tpu.memory_space<semaphore_mem>>)
    %dma_wait3A_272 = arith.constant 2 : i32
    %dma_wait3A_273 = arith.constant 0 : i32
    %dma_wait3A_274 = arith.constant 0 : i32
    %dma_wait3A_275 = arith.constant 0 : i32
    %dma_wait3A_276 = tpu.memref_slice %arg4[%dma_wait3A_272, %dma_wait3A_274, %dma_wait3A_275] : memref<3x128x256xf32, #tpu.memory_space<vmem>> -> memref<1x128x256xf32, #tpu.memory_space<vmem>>
    %dma_wait3A_277 = tpu.memref_squeeze %dma_wait3A_276 : memref<1x128x256xf32, #tpu.memory_space<vmem>> -> memref<128x256xf32, #tpu.memory_space<vmem>>
    %dma_wait3A_278 = arith.constant 128 : i32
    %dma_wait3A_279 = arith.constant 0 : i32
    %dma_wait3A_280 = tpu.memref_slice %arg3[%dma_wait3A_273, %add3A, %dma_wait3A_278, %dma_wait3A_279] : memref<3x32x256x256xf32, #tpu.memory_space<hbm>> -> memref<1x1x128x256xf32, #tpu.memory_space<hbm>>
    %dma_wait3A_281 = tpu.memref_squeeze %dma_wait3A_280 : memref<1x1x128x256xf32, #tpu.memory_space<hbm>> -> memref<128x256xf32, #tpu.memory_space<hbm>>
    %dma_wait3A_282 = arith.constant 128 : i32
    %dma_wait3A_283 = arith.constant 0 : i32
    %dma_wait3A_284 = tpu.memref_slice %arg3[%dma_wait3A_273, %add3A, %dma_wait3A_282, %dma_wait3A_283] : memref<3x32x256x256xf32, #tpu.memory_space<hbm>> -> memref<1x1x128x256xf32, #tpu.memory_space<hbm>>
    %dma_wait3A_285 = tpu.memref_squeeze %dma_wait3A_284 : memref<1x1x128x256xf32, #tpu.memory_space<hbm>> -> memref<128x256xf32, #tpu.memory_space<hbm>>
    %dma_wait3A_286 = arith.constant 0 : i32
    %dma_wait3A_287 = arith.constant 0 : i32
    %dma_wait3A_288 = tpu.memref_slice %arg4[%dma_wait3A_272, %dma_wait3A_286, %dma_wait3A_287] : memref<3x128x256xf32, #tpu.memory_space<vmem>> -> memref<1x128x256xf32, #tpu.memory_space<vmem>>
    %dma_wait3A_289 = tpu.memref_squeeze %dma_wait3A_288 : memref<1x128x256xf32, #tpu.memory_space<vmem>> -> memref<128x256xf32, #tpu.memory_space<vmem>>
    tpu.wait_dma2 semaphore(%arg6 : memref<!tpu.dma_semaphore, #tpu.memory_space<semaphore_mem>>) src(%dma_wait3A_289 : memref<128x256xf32, #tpu.memory_space<vmem>>) dst(%dma_wait3A_285 : memref<128x256xf32, #tpu.memory_space<hbm>>)
    %dma_start3A_290 = arith.constant 2 : i32
    %dma_start3A_291 = arith.constant 2 : i32
    %dma_start3A_292 = arith.constant 0 : i32
    %dma_start3A_293 = arith.constant 0 : i32
    %dma_start3A_294 = tpu.memref_slice %arg4[%dma_start3A_291, %dma_start3A_292, %dma_start3A_293] : memref<3x128x256xf32, #tpu.memory_space<vmem>> -> memref<1x128x256xf32, #tpu.memory_space<vmem>>
    %dma_start3A_295 = tpu.memref_squeeze %dma_start3A_294 : memref<1x128x256xf32, #tpu.memory_space<vmem>> -> memref<128x256xf32, #tpu.memory_space<vmem>>
    %dma_start3A_296 = arith.constant 0 : i32
    %dma_start3A_297 = arith.constant 0 : i32
    %dma_start3A_298 = tpu.memref_slice %arg2[%dma_start3A_290, %div3A_3, %dma_start3A_296, %dma_start3A_297] : memref<3x300x256x256xf32, #tpu.memory_space<hbm>> -> memref<1x1x128x256xf32, #tpu.memory_space<hbm>>
    %dma_start3A_299 = tpu.memref_squeeze %dma_start3A_298 : memref<1x1x128x256xf32, #tpu.memory_space<hbm>> -> memref<128x256xf32, #tpu.memory_space<hbm>>
    %dma_start3A_300 = arith.constant 0 : i32
    %dma_start3A_301 = arith.constant 0 : i32
    %dma_start3A_302 = tpu.memref_slice %arg4[%dma_start3A_291, %dma_start3A_300, %dma_start3A_301] : memref<3x128x256xf32, #tpu.memory_space<vmem>> -> memref<1x128x256xf32, #tpu.memory_space<vmem>>
    %dma_start3A_303 = tpu.memref_squeeze %dma_start3A_302 : memref<1x128x256xf32, #tpu.memory_space<vmem>> -> memref<128x256xf32, #tpu.memory_space<vmem>>
    %dma_start3A_304 = arith.constant 0 : i32
    %dma_start3A_305 = arith.constant 0 : i32
    %dma_start3A_306 = tpu.memref_slice %arg2[%dma_start3A_290, %div3A_3, %dma_start3A_304, %dma_start3A_305] : memref<3x300x256x256xf32, #tpu.memory_space<hbm>> -> memref<1x1x128x256xf32, #tpu.memory_space<hbm>>
    %dma_start3A_307 = tpu.memref_squeeze %dma_start3A_306 : memref<1x1x128x256xf32, #tpu.memory_space<hbm>> -> memref<128x256xf32, #tpu.memory_space<hbm>>
    tpu.enqueue_dma source(%dma_start3A_307 : memref<128x256xf32, #tpu.memory_space<hbm>>) target(%dma_start3A_303 : memref<128x256xf32, #tpu.memory_space<vmem>>) target_semaphore(%arg5 : memref<!tpu.dma_semaphore, #tpu.memory_space<semaphore_mem>>)
    %dma_wait3A_308 = arith.constant 1 : i32
    %dma_wait3A_309 = arith.constant 1 : i32
    %dma_wait3A_310 = arith.constant 0 : i32
    %dma_wait3A_311 = arith.constant 0 : i32
    %dma_wait3A_312 = tpu.memref_slice %arg4[%dma_wait3A_309, %dma_wait3A_310, %dma_wait3A_311] : memref<3x128x256xf32, #tpu.memory_space<vmem>> -> memref<1x128x256xf32, #tpu.memory_space<vmem>>
    %dma_wait3A_313 = tpu.memref_squeeze %dma_wait3A_312 : memref<1x128x256xf32, #tpu.memory_space<vmem>> -> memref<128x256xf32, #tpu.memory_space<vmem>>
    %dma_wait3A_314 = arith.constant 128 : i32
    %dma_wait3A_315 = arith.constant 0 : i32
    %dma_wait3A_316 = tpu.memref_slice %arg2[%dma_wait3A_308, %div3A_3, %dma_wait3A_314, %dma_wait3A_315] : memref<3x300x256x256xf32, #tpu.memory_space<hbm>> -> memref<1x1x128x256xf32, #tpu.memory_space<hbm>>
    %dma_wait3A_317 = tpu.memref_squeeze %dma_wait3A_316 : memref<1x1x128x256xf32, #tpu.memory_space<hbm>> -> memref<128x256xf32, #tpu.memory_space<hbm>>
    %dma_wait3A_318 = arith.constant 0 : i32
    %dma_wait3A_319 = arith.constant 0 : i32
    %dma_wait3A_320 = tpu.memref_slice %arg4[%dma_wait3A_309, %dma_wait3A_318, %dma_wait3A_319] : memref<3x128x256xf32, #tpu.memory_space<vmem>> -> memref<1x128x256xf32, #tpu.memory_space<vmem>>
    %dma_wait3A_321 = tpu.memref_squeeze %dma_wait3A_320 : memref<1x128x256xf32, #tpu.memory_space<vmem>> -> memref<128x256xf32, #tpu.memory_space<vmem>>
    %dma_wait3A_322 = arith.constant 128 : i32
    %dma_wait3A_323 = arith.constant 0 : i32
    %dma_wait3A_324 = tpu.memref_slice %arg2[%dma_wait3A_308, %div3A_3, %dma_wait3A_322, %dma_wait3A_323] : memref<3x300x256x256xf32, #tpu.memory_space<hbm>> -> memref<1x1x128x256xf32, #tpu.memory_space<hbm>>
    %dma_wait3A_325 = tpu.memref_squeeze %dma_wait3A_324 : memref<1x1x128x256xf32, #tpu.memory_space<hbm>> -> memref<128x256xf32, #tpu.memory_space<hbm>>
    tpu.wait_dma2 semaphore(%arg5 : memref<!tpu.dma_semaphore, #tpu.memory_space<semaphore_mem>>) src(%dma_wait3A_325 : memref<128x256xf32, #tpu.memory_space<hbm>>) dst(%dma_wait3A_321 : memref<128x256xf32, #tpu.memory_space<vmem>>)
    %dma_start3A_326 = arith.constant 1 : i32
    %dma_start3A_327 = arith.constant 1 : i32
    %dma_start3A_328 = arith.constant 0 : i32
    %dma_start3A_329 = arith.constant 0 : i32
    %dma_start3A_330 = tpu.memref_slice %arg4[%dma_start3A_326, %dma_start3A_328, %dma_start3A_329] : memref<3x128x256xf32, #tpu.memory_space<vmem>> -> memref<1x128x256xf32, #tpu.memory_space<vmem>>
    %dma_start3A_331 = tpu.memref_squeeze %dma_start3A_330 : memref<1x128x256xf32, #tpu.memory_space<vmem>> -> memref<128x256xf32, #tpu.memory_space<vmem>>
    %dma_start3A_332 = arith.constant 128 : i32
    %dma_start3A_333 = arith.constant 0 : i32
    %dma_start3A_334 = tpu.memref_slice %arg3[%dma_start3A_327, %add3A, %dma_start3A_332, %dma_start3A_333] : memref<3x32x256x256xf32, #tpu.memory_space<hbm>> -> memref<1x1x128x256xf32, #tpu.memory_space<hbm>>
    %dma_start3A_335 = tpu.memref_squeeze %dma_start3A_334 : memref<1x1x128x256xf32, #tpu.memory_space<hbm>> -> memref<128x256xf32, #tpu.memory_space<hbm>>
    %dma_start3A_336 = arith.constant 128 : i32
    %dma_start3A_337 = arith.constant 0 : i32
    %dma_start3A_338 = tpu.memref_slice %arg3[%dma_start3A_327, %add3A, %dma_start3A_336, %dma_start3A_337] : memref<3x32x256x256xf32, #tpu.memory_space<hbm>> -> memref<1x1x128x256xf32, #tpu.memory_space<hbm>>
    %dma_start3A_339 = tpu.memref_squeeze %dma_start3A_338 : memref<1x1x128x256xf32, #tpu.memory_space<hbm>> -> memref<128x256xf32, #tpu.memory_space<hbm>>
    %dma_start3A_340 = arith.constant 0 : i32
    %dma_start3A_341 = arith.constant 0 : i32
    %dma_start3A_342 = tpu.memref_slice %arg4[%dma_start3A_326, %dma_start3A_340, %dma_start3A_341] : memref<3x128x256xf32, #tpu.memory_space<vmem>> -> memref<1x128x256xf32, #tpu.memory_space<vmem>>
    %dma_start3A_343 = tpu.memref_squeeze %dma_start3A_342 : memref<1x128x256xf32, #tpu.memory_space<vmem>> -> memref<128x256xf32, #tpu.memory_space<vmem>>
    tpu.enqueue_dma source(%dma_start3A_343 : memref<128x256xf32, #tpu.memory_space<vmem>>) target(%dma_start3A_339 : memref<128x256xf32, #tpu.memory_space<hbm>>) target_semaphore(%arg6 : memref<!tpu.dma_semaphore, #tpu.memory_space<semaphore_mem>>)
    %dma_wait3A_344 = arith.constant 0 : i32
    %dma_wait3A_345 = arith.constant 1 : i32
    %dma_wait3A_346 = arith.constant 0 : i32
    %dma_wait3A_347 = arith.constant 0 : i32
    %dma_wait3A_348 = tpu.memref_slice %arg4[%dma_wait3A_344, %dma_wait3A_346, %dma_wait3A_347] : memref<3x128x256xf32, #tpu.memory_space<vmem>> -> memref<1x128x256xf32, #tpu.memory_space<vmem>>
    %dma_wait3A_349 = tpu.memref_squeeze %dma_wait3A_348 : memref<1x128x256xf32, #tpu.memory_space<vmem>> -> memref<128x256xf32, #tpu.memory_space<vmem>>
    %dma_wait3A_350 = arith.constant 0 : i32
    %dma_wait3A_351 = arith.constant 0 : i32
    %dma_wait3A_352 = tpu.memref_slice %arg3[%dma_wait3A_345, %add3A, %dma_wait3A_350, %dma_wait3A_351] : memref<3x32x256x256xf32, #tpu.memory_space<hbm>> -> memref<1x1x128x256xf32, #tpu.memory_space<hbm>>
    %dma_wait3A_353 = tpu.memref_squeeze %dma_wait3A_352 : memref<1x1x128x256xf32, #tpu.memory_space<hbm>> -> memref<128x256xf32, #tpu.memory_space<hbm>>
    %dma_wait3A_354 = arith.constant 0 : i32
    %dma_wait3A_355 = arith.constant 0 : i32
    %dma_wait3A_356 = tpu.memref_slice %arg3[%dma_wait3A_345, %add3A, %dma_wait3A_354, %dma_wait3A_355] : memref<3x32x256x256xf32, #tpu.memory_space<hbm>> -> memref<1x1x128x256xf32, #tpu.memory_space<hbm>>
    %dma_wait3A_357 = tpu.memref_squeeze %dma_wait3A_356 : memref<1x1x128x256xf32, #tpu.memory_space<hbm>> -> memref<128x256xf32, #tpu.memory_space<hbm>>
    %dma_wait3A_358 = arith.constant 0 : i32
    %dma_wait3A_359 = arith.constant 0 : i32
    %dma_wait3A_360 = tpu.memref_slice %arg4[%dma_wait3A_344, %dma_wait3A_358, %dma_wait3A_359] : memref<3x128x256xf32, #tpu.memory_space<vmem>> -> memref<1x128x256xf32, #tpu.memory_space<vmem>>
    %dma_wait3A_361 = tpu.memref_squeeze %dma_wait3A_360 : memref<1x128x256xf32, #tpu.memory_space<vmem>> -> memref<128x256xf32, #tpu.memory_space<vmem>>
    tpu.wait_dma2 semaphore(%arg6 : memref<!tpu.dma_semaphore, #tpu.memory_space<semaphore_mem>>) src(%dma_wait3A_361 : memref<128x256xf32, #tpu.memory_space<vmem>>) dst(%dma_wait3A_357 : memref<128x256xf32, #tpu.memory_space<hbm>>)
    %dma_start3A_362 = arith.constant 2 : i32
    %dma_start3A_363 = arith.constant 0 : i32
    %dma_start3A_364 = arith.constant 0 : i32
    %dma_start3A_365 = arith.constant 0 : i32
    %dma_start3A_366 = tpu.memref_slice %arg4[%dma_start3A_363, %dma_start3A_364, %dma_start3A_365] : memref<3x128x256xf32, #tpu.memory_space<vmem>> -> memref<1x64x256xf32, #tpu.memory_space<vmem>>
    %dma_start3A_367 = tpu.memref_squeeze %dma_start3A_366 : memref<1x64x256xf32, #tpu.memory_space<vmem>> -> memref<64x256xf32, #tpu.memory_space<vmem>>
    %dma_start3A_368 = arith.constant 128 : i32
    %dma_start3A_369 = arith.constant 0 : i32
    %dma_start3A_370 = tpu.memref_slice %arg2[%dma_start3A_362, %div3A_3, %dma_start3A_368, %dma_start3A_369] : memref<3x300x256x256xf32, #tpu.memory_space<hbm>> -> memref<1x1x64x256xf32, #tpu.memory_space<hbm>>
    %dma_start3A_371 = tpu.memref_squeeze %dma_start3A_370 : memref<1x1x64x256xf32, #tpu.memory_space<hbm>> -> memref<64x256xf32, #tpu.memory_space<hbm>>
    %dma_start3A_372 = arith.constant 0 : i32
    %dma_start3A_373 = arith.constant 0 : i32
    %dma_start3A_374 = tpu.memref_slice %arg4[%dma_start3A_363, %dma_start3A_372, %dma_start3A_373] : memref<3x128x256xf32, #tpu.memory_space<vmem>> -> memref<1x64x256xf32, #tpu.memory_space<vmem>>
    %dma_start3A_375 = tpu.memref_squeeze %dma_start3A_374 : memref<1x64x256xf32, #tpu.memory_space<vmem>> -> memref<64x256xf32, #tpu.memory_space<vmem>>
    %dma_start3A_376 = arith.constant 128 : i32
    %dma_start3A_377 = arith.constant 0 : i32
    %dma_start3A_378 = tpu.memref_slice %arg2[%dma_start3A_362, %div3A_3, %dma_start3A_376, %dma_start3A_377] : memref<3x300x256x256xf32, #tpu.memory_space<hbm>> -> memref<1x1x64x256xf32, #tpu.memory_space<hbm>>
    %dma_start3A_379 = tpu.memref_squeeze %dma_start3A_378 : memref<1x1x64x256xf32, #tpu.memory_space<hbm>> -> memref<64x256xf32, #tpu.memory_space<hbm>>
    tpu.enqueue_dma source(%dma_start3A_379 : memref<64x256xf32, #tpu.memory_space<hbm>>) target(%dma_start3A_375 : memref<64x256xf32, #tpu.memory_space<vmem>>) target_semaphore(%arg5 : memref<!tpu.dma_semaphore, #tpu.memory_space<semaphore_mem>>)
    %dma_wait3A_380 = arith.constant 2 : i32
    %dma_wait3A_381 = arith.constant 2 : i32
    %dma_wait3A_382 = arith.constant 0 : i32
    %dma_wait3A_383 = arith.constant 0 : i32
    %dma_wait3A_384 = tpu.memref_slice %arg4[%dma_wait3A_381, %dma_wait3A_382, %dma_wait3A_383] : memref<3x128x256xf32, #tpu.memory_space<vmem>> -> memref<1x128x256xf32, #tpu.memory_space<vmem>>
    %dma_wait3A_385 = tpu.memref_squeeze %dma_wait3A_384 : memref<1x128x256xf32, #tpu.memory_space<vmem>> -> memref<128x256xf32, #tpu.memory_space<vmem>>
    %dma_wait3A_386 = arith.constant 0 : i32
    %dma_wait3A_387 = arith.constant 0 : i32
    %dma_wait3A_388 = tpu.memref_slice %arg2[%dma_wait3A_380, %div3A_3, %dma_wait3A_386, %dma_wait3A_387] : memref<3x300x256x256xf32, #tpu.memory_space<hbm>> -> memref<1x1x128x256xf32, #tpu.memory_space<hbm>>
    %dma_wait3A_389 = tpu.memref_squeeze %dma_wait3A_388 : memref<1x1x128x256xf32, #tpu.memory_space<hbm>> -> memref<128x256xf32, #tpu.memory_space<hbm>>
    %dma_wait3A_390 = arith.constant 0 : i32
    %dma_wait3A_391 = arith.constant 0 : i32
    %dma_wait3A_392 = tpu.memref_slice %arg4[%dma_wait3A_381, %dma_wait3A_390, %dma_wait3A_391] : memref<3x128x256xf32, #tpu.memory_space<vmem>> -> memref<1x128x256xf32, #tpu.memory_space<vmem>>
    %dma_wait3A_393 = tpu.memref_squeeze %dma_wait3A_392 : memref<1x128x256xf32, #tpu.memory_space<vmem>> -> memref<128x256xf32, #tpu.memory_space<vmem>>
    %dma_wait3A_394 = arith.constant 0 : i32
    %dma_wait3A_395 = arith.constant 0 : i32
    %dma_wait3A_396 = tpu.memref_slice %arg2[%dma_wait3A_380, %div3A_3, %dma_wait3A_394, %dma_wait3A_395] : memref<3x300x256x256xf32, #tpu.memory_space<hbm>> -> memref<1x1x128x256xf32, #tpu.memory_space<hbm>>
    %dma_wait3A_397 = tpu.memref_squeeze %dma_wait3A_396 : memref<1x1x128x256xf32, #tpu.memory_space<hbm>> -> memref<128x256xf32, #tpu.memory_space<hbm>>
    tpu.wait_dma2 semaphore(%arg5 : memref<!tpu.dma_semaphore, #tpu.memory_space<semaphore_mem>>) src(%dma_wait3A_397 : memref<128x256xf32, #tpu.memory_space<hbm>>) dst(%dma_wait3A_393 : memref<128x256xf32, #tpu.memory_space<vmem>>)
    %dma_start3A_398 = arith.constant 2 : i32
    %dma_start3A_399 = arith.constant 2 : i32
    %dma_start3A_400 = arith.constant 0 : i32
    %dma_start3A_401 = arith.constant 0 : i32
    %dma_start3A_402 = tpu.memref_slice %arg4[%dma_start3A_398, %dma_start3A_400, %dma_start3A_401] : memref<3x128x256xf32, #tpu.memory_space<vmem>> -> memref<1x128x256xf32, #tpu.memory_space<vmem>>
    %dma_start3A_403 = tpu.memref_squeeze %dma_start3A_402 : memref<1x128x256xf32, #tpu.memory_space<vmem>> -> memref<128x256xf32, #tpu.memory_space<vmem>>
    %dma_start3A_404 = arith.constant 0 : i32
    %dma_start3A_405 = arith.constant 0 : i32
    %dma_start3A_406 = tpu.memref_slice %arg3[%dma_start3A_399, %add3A, %dma_start3A_404, %dma_start3A_405] : memref<3x32x256x256xf32, #tpu.memory_space<hbm>> -> memref<1x1x128x256xf32, #tpu.memory_space<hbm>>
    %dma_start3A_407 = tpu.memref_squeeze %dma_start3A_406 : memref<1x1x128x256xf32, #tpu.memory_space<hbm>> -> memref<128x256xf32, #tpu.memory_space<hbm>>
    %dma_start3A_408 = arith.constant 0 : i32
    %dma_start3A_409 = arith.constant 0 : i32
    %dma_start3A_410 = tpu.memref_slice %arg3[%dma_start3A_399, %add3A, %dma_start3A_408, %dma_start3A_409] : memref<3x32x256x256xf32, #tpu.memory_space<hbm>> -> memref<1x1x128x256xf32, #tpu.memory_space<hbm>>
    %dma_start3A_411 = tpu.memref_squeeze %dma_start3A_410 : memref<1x1x128x256xf32, #tpu.memory_space<hbm>> -> memref<128x256xf32, #tpu.memory_space<hbm>>
    %dma_start3A_412 = arith.constant 0 : i32
    %dma_start3A_413 = arith.constant 0 : i32
    %dma_start3A_414 = tpu.memref_slice %arg4[%dma_start3A_398, %dma_start3A_412, %dma_start3A_413] : memref<3x128x256xf32, #tpu.memory_space<vmem>> -> memref<1x128x256xf32, #tpu.memory_space<vmem>>
    %dma_start3A_415 = tpu.memref_squeeze %dma_start3A_414 : memref<1x128x256xf32, #tpu.memory_space<vmem>> -> memref<128x256xf32, #tpu.memory_space<vmem>>
    tpu.enqueue_dma source(%dma_start3A_415 : memref<128x256xf32, #tpu.memory_space<vmem>>) target(%dma_start3A_411 : memref<128x256xf32, #tpu.memory_space<hbm>>) target_semaphore(%arg6 : memref<!tpu.dma_semaphore, #tpu.memory_space<semaphore_mem>>)
    %dma_wait3A_416 = arith.constant 1 : i32
    %dma_wait3A_417 = arith.constant 1 : i32
    %dma_wait3A_418 = arith.constant 0 : i32
    %dma_wait3A_419 = arith.constant 0 : i32
    %dma_wait3A_420 = tpu.memref_slice %arg4[%dma_wait3A_416, %dma_wait3A_418, %dma_wait3A_419] : memref<3x128x256xf32, #tpu.memory_space<vmem>> -> memref<1x128x256xf32, #tpu.memory_space<vmem>>
    %dma_wait3A_421 = tpu.memref_squeeze %dma_wait3A_420 : memref<1x128x256xf32, #tpu.memory_space<vmem>> -> memref<128x256xf32, #tpu.memory_space<vmem>>
    %dma_wait3A_422 = arith.constant 128 : i32
    %dma_wait3A_423 = arith.constant 0 : i32
    %dma_wait3A_424 = tpu.memref_slice %arg3[%dma_wait3A_417, %add3A, %dma_wait3A_422, %dma_wait3A_423] : memref<3x32x256x256xf32, #tpu.memory_space<hbm>> -> memref<1x1x128x256xf32, #tpu.memory_space<hbm>>
    %dma_wait3A_425 = tpu.memref_squeeze %dma_wait3A_424 : memref<1x1x128x256xf32, #tpu.memory_space<hbm>> -> memref<128x256xf32, #tpu.memory_space<hbm>>
    %dma_wait3A_426 = arith.constant 128 : i32
    %dma_wait3A_427 = arith.constant 0 : i32
    %dma_wait3A_428 = tpu.memref_slice %arg3[%dma_wait3A_417, %add3A, %dma_wait3A_426, %dma_wait3A_427] : memref<3x32x256x256xf32, #tpu.memory_space<hbm>> -> memref<1x1x128x256xf32, #tpu.memory_space<hbm>>
    %dma_wait3A_429 = tpu.memref_squeeze %dma_wait3A_428 : memref<1x1x128x256xf32, #tpu.memory_space<hbm>> -> memref<128x256xf32, #tpu.memory_space<hbm>>
    %dma_wait3A_430 = arith.constant 0 : i32
    %dma_wait3A_431 = arith.constant 0 : i32
    %dma_wait3A_432 = tpu.memref_slice %arg4[%dma_wait3A_416, %dma_wait3A_430, %dma_wait3A_431] : memref<3x128x256xf32, #tpu.memory_space<vmem>> -> memref<1x128x256xf32, #tpu.memory_space<vmem>>
    %dma_wait3A_433 = tpu.memref_squeeze %dma_wait3A_432 : memref<1x128x256xf32, #tpu.memory_space<vmem>> -> memref<128x256xf32, #tpu.memory_space<vmem>>
    tpu.wait_dma2 semaphore(%arg6 : memref<!tpu.dma_semaphore, #tpu.memory_space<semaphore_mem>>) src(%dma_wait3A_433 : memref<128x256xf32, #tpu.memory_space<vmem>>) dst(%dma_wait3A_429 : memref<128x256xf32, #tpu.memory_space<hbm>>)
    %dma_start3A_434 = arith.constant 2 : i32
    %dma_start3A_435 = arith.constant 1 : i32
    %dma_start3A_436 = arith.constant 0 : i32
    %dma_start3A_437 = arith.constant 0 : i32
    %dma_start3A_438 = tpu.memref_slice %arg4[%dma_start3A_435, %dma_start3A_436, %dma_start3A_437] : memref<3x128x256xf32, #tpu.memory_space<vmem>> -> memref<1x64x256xf32, #tpu.memory_space<vmem>>
    %dma_start3A_439 = tpu.memref_squeeze %dma_start3A_438 : memref<1x64x256xf32, #tpu.memory_space<vmem>> -> memref<64x256xf32, #tpu.memory_space<vmem>>
    %dma_start3A_440 = arith.constant 192 : i32
    %dma_start3A_441 = arith.constant 0 : i32
    %dma_start3A_442 = tpu.memref_slice %arg2[%dma_start3A_434, %div3A_3, %dma_start3A_440, %dma_start3A_441] : memref<3x300x256x256xf32, #tpu.memory_space<hbm>> -> memref<1x1x64x256xf32, #tpu.memory_space<hbm>>
    %dma_start3A_443 = tpu.memref_squeeze %dma_start3A_442 : memref<1x1x64x256xf32, #tpu.memory_space<hbm>> -> memref<64x256xf32, #tpu.memory_space<hbm>>
    %dma_start3A_444 = arith.constant 0 : i32
    %dma_start3A_445 = arith.constant 0 : i32
    %dma_start3A_446 = tpu.memref_slice %arg4[%dma_start3A_435, %dma_start3A_444, %dma_start3A_445] : memref<3x128x256xf32, #tpu.memory_space<vmem>> -> memref<1x64x256xf32, #tpu.memory_space<vmem>>
    %dma_start3A_447 = tpu.memref_squeeze %dma_start3A_446 : memref<1x64x256xf32, #tpu.memory_space<vmem>> -> memref<64x256xf32, #tpu.memory_space<vmem>>
    %dma_start3A_448 = arith.constant 192 : i32
    %dma_start3A_449 = arith.constant 0 : i32
    %dma_start3A_450 = tpu.memref_slice %arg2[%dma_start3A_434, %div3A_3, %dma_start3A_448, %dma_start3A_449] : memref<3x300x256x256xf32, #tpu.memory_space<hbm>> -> memref<1x1x64x256xf32, #tpu.memory_space<hbm>>
    %dma_start3A_451 = tpu.memref_squeeze %dma_start3A_450 : memref<1x1x64x256xf32, #tpu.memory_space<hbm>> -> memref<64x256xf32, #tpu.memory_space<hbm>>
    tpu.enqueue_dma source(%dma_start3A_451 : memref<64x256xf32, #tpu.memory_space<hbm>>) target(%dma_start3A_447 : memref<64x256xf32, #tpu.memory_space<vmem>>) target_semaphore(%arg5 : memref<!tpu.dma_semaphore, #tpu.memory_space<semaphore_mem>>)
    %dma_wait3A_452 = arith.constant 2 : i32
    %dma_wait3A_453 = arith.constant 0 : i32
    %dma_wait3A_454 = arith.constant 0 : i32
    %dma_wait3A_455 = arith.constant 0 : i32
    %dma_wait3A_456 = tpu.memref_slice %arg4[%dma_wait3A_453, %dma_wait3A_454, %dma_wait3A_455] : memref<3x128x256xf32, #tpu.memory_space<vmem>> -> memref<1x64x256xf32, #tpu.memory_space<vmem>>
    %dma_wait3A_457 = tpu.memref_squeeze %dma_wait3A_456 : memref<1x64x256xf32, #tpu.memory_space<vmem>> -> memref<64x256xf32, #tpu.memory_space<vmem>>
    %dma_wait3A_458 = arith.constant 128 : i32
    %dma_wait3A_459 = arith.constant 0 : i32
    %dma_wait3A_460 = tpu.memref_slice %arg2[%dma_wait3A_452, %div3A_3, %dma_wait3A_458, %dma_wait3A_459] : memref<3x300x256x256xf32, #tpu.memory_space<hbm>> -> memref<1x1x64x256xf32, #tpu.memory_space<hbm>>
    %dma_wait3A_461 = tpu.memref_squeeze %dma_wait3A_460 : memref<1x1x64x256xf32, #tpu.memory_space<hbm>> -> memref<64x256xf32, #tpu.memory_space<hbm>>
    %dma_wait3A_462 = arith.constant 0 : i32
    %dma_wait3A_463 = arith.constant 0 : i32
    %dma_wait3A_464 = tpu.memref_slice %arg4[%dma_wait3A_453, %dma_wait3A_462, %dma_wait3A_463] : memref<3x128x256xf32, #tpu.memory_space<vmem>> -> memref<1x64x256xf32, #tpu.memory_space<vmem>>
    %dma_wait3A_465 = tpu.memref_squeeze %dma_wait3A_464 : memref<1x64x256xf32, #tpu.memory_space<vmem>> -> memref<64x256xf32, #tpu.memory_space<vmem>>
    %dma_wait3A_466 = arith.constant 128 : i32
    %dma_wait3A_467 = arith.constant 0 : i32
    %dma_wait3A_468 = tpu.memref_slice %arg2[%dma_wait3A_452, %div3A_3, %dma_wait3A_466, %dma_wait3A_467] : memref<3x300x256x256xf32, #tpu.memory_space<hbm>> -> memref<1x1x64x256xf32, #tpu.memory_space<hbm>>
    %dma_wait3A_469 = tpu.memref_squeeze %dma_wait3A_468 : memref<1x1x64x256xf32, #tpu.memory_space<hbm>> -> memref<64x256xf32, #tpu.memory_space<hbm>>
    tpu.wait_dma2 semaphore(%arg5 : memref<!tpu.dma_semaphore, #tpu.memory_space<semaphore_mem>>) src(%dma_wait3A_469 : memref<64x256xf32, #tpu.memory_space<hbm>>) dst(%dma_wait3A_465 : memref<64x256xf32, #tpu.memory_space<vmem>>)
    %dma_start3A_470 = arith.constant 0 : i32
    %dma_start3A_471 = arith.constant 2 : i32
    %dma_start3A_472 = arith.constant 0 : i32
    %dma_start3A_473 = arith.constant 0 : i32
    %dma_start3A_474 = tpu.memref_slice %arg4[%dma_start3A_470, %dma_start3A_472, %dma_start3A_473] : memref<3x128x256xf32, #tpu.memory_space<vmem>> -> memref<1x64x256xf32, #tpu.memory_space<vmem>>
    %dma_start3A_475 = tpu.memref_squeeze %dma_start3A_474 : memref<1x64x256xf32, #tpu.memory_space<vmem>> -> memref<64x256xf32, #tpu.memory_space<vmem>>
    %dma_start3A_476 = arith.constant 128 : i32
    %dma_start3A_477 = arith.constant 0 : i32
    %dma_start3A_478 = tpu.memref_slice %arg3[%dma_start3A_471, %add3A, %dma_start3A_476, %dma_start3A_477] : memref<3x32x256x256xf32, #tpu.memory_space<hbm>> -> memref<1x1x64x256xf32, #tpu.memory_space<hbm>>
    %dma_start3A_479 = tpu.memref_squeeze %dma_start3A_478 : memref<1x1x64x256xf32, #tpu.memory_space<hbm>> -> memref<64x256xf32, #tpu.memory_space<hbm>>
    %dma_start3A_480 = arith.constant 128 : i32
    %dma_start3A_481 = arith.constant 0 : i32
    %dma_start3A_482 = tpu.memref_slice %arg3[%dma_start3A_471, %add3A, %dma_start3A_480, %dma_start3A_481] : memref<3x32x256x256xf32, #tpu.memory_space<hbm>> -> memref<1x1x64x256xf32, #tpu.memory_space<hbm>>
    %dma_start3A_483 = tpu.memref_squeeze %dma_start3A_482 : memref<1x1x64x256xf32, #tpu.memory_space<hbm>> -> memref<64x256xf32, #tpu.memory_space<hbm>>
    %dma_start3A_484 = arith.constant 0 : i32
    %dma_start3A_485 = arith.constant 0 : i32
    %dma_start3A_486 = tpu.memref_slice %arg4[%dma_start3A_470, %dma_start3A_484, %dma_start3A_485] : memref<3x128x256xf32, #tpu.memory_space<vmem>> -> memref<1x64x256xf32, #tpu.memory_space<vmem>>
    %dma_start3A_487 = tpu.memref_squeeze %dma_start3A_486 : memref<1x64x256xf32, #tpu.memory_space<vmem>> -> memref<64x256xf32, #tpu.memory_space<vmem>>
    tpu.enqueue_dma source(%dma_start3A_487 : memref<64x256xf32, #tpu.memory_space<vmem>>) target(%dma_start3A_483 : memref<64x256xf32, #tpu.memory_space<hbm>>) target_semaphore(%arg6 : memref<!tpu.dma_semaphore, #tpu.memory_space<semaphore_mem>>)
    %dma_wait3A_488 = arith.constant 2 : i32
    %dma_wait3A_489 = arith.constant 1 : i32
    %dma_wait3A_490 = arith.constant 0 : i32
    %dma_wait3A_491 = arith.constant 0 : i32
    %dma_wait3A_492 = tpu.memref_slice %arg4[%dma_wait3A_489, %dma_wait3A_490, %dma_wait3A_491] : memref<3x128x256xf32, #tpu.memory_space<vmem>> -> memref<1x64x256xf32, #tpu.memory_space<vmem>>
    %dma_wait3A_493 = tpu.memref_squeeze %dma_wait3A_492 : memref<1x64x256xf32, #tpu.memory_space<vmem>> -> memref<64x256xf32, #tpu.memory_space<vmem>>
    %dma_wait3A_494 = arith.constant 192 : i32
    %dma_wait3A_495 = arith.constant 0 : i32
    %dma_wait3A_496 = tpu.memref_slice %arg2[%dma_wait3A_488, %div3A_3, %dma_wait3A_494, %dma_wait3A_495] : memref<3x300x256x256xf32, #tpu.memory_space<hbm>> -> memref<1x1x64x256xf32, #tpu.memory_space<hbm>>
    %dma_wait3A_497 = tpu.memref_squeeze %dma_wait3A_496 : memref<1x1x64x256xf32, #tpu.memory_space<hbm>> -> memref<64x256xf32, #tpu.memory_space<hbm>>
    %dma_wait3A_498 = arith.constant 0 : i32
    %dma_wait3A_499 = arith.constant 0 : i32
    %dma_wait3A_500 = tpu.memref_slice %arg4[%dma_wait3A_489, %dma_wait3A_498, %dma_wait3A_499] : memref<3x128x256xf32, #tpu.memory_space<vmem>> -> memref<1x64x256xf32, #tpu.memory_space<vmem>>
    %dma_wait3A_501 = tpu.memref_squeeze %dma_wait3A_500 : memref<1x64x256xf32, #tpu.memory_space<vmem>> -> memref<64x256xf32, #tpu.memory_space<vmem>>
    %dma_wait3A_502 = arith.constant 192 : i32
    %dma_wait3A_503 = arith.constant 0 : i32
    %dma_wait3A_504 = tpu.memref_slice %arg2[%dma_wait3A_488, %div3A_3, %dma_wait3A_502, %dma_wait3A_503] : memref<3x300x256x256xf32, #tpu.memory_space<hbm>> -> memref<1x1x64x256xf32, #tpu.memory_space<hbm>>
    %dma_wait3A_505 = tpu.memref_squeeze %dma_wait3A_504 : memref<1x1x64x256xf32, #tpu.memory_space<hbm>> -> memref<64x256xf32, #tpu.memory_space<hbm>>
    tpu.wait_dma2 semaphore(%arg5 : memref<!tpu.dma_semaphore, #tpu.memory_space<semaphore_mem>>) src(%dma_wait3A_505 : memref<64x256xf32, #tpu.memory_space<hbm>>) dst(%dma_wait3A_501 : memref<64x256xf32, #tpu.memory_space<vmem>>)
    %dma_start3A_506 = arith.constant 1 : i32
    %dma_start3A_507 = arith.constant 2 : i32
    %dma_start3A_508 = arith.constant 0 : i32
    %dma_start3A_509 = arith.constant 0 : i32
    %dma_start3A_510 = tpu.memref_slice %arg4[%dma_start3A_506, %dma_start3A_508, %dma_start3A_509] : memref<3x128x256xf32, #tpu.memory_space<vmem>> -> memref<1x64x256xf32, #tpu.memory_space<vmem>>
    %dma_start3A_511 = tpu.memref_squeeze %dma_start3A_510 : memref<1x64x256xf32, #tpu.memory_space<vmem>> -> memref<64x256xf32, #tpu.memory_space<vmem>>
    %dma_start3A_512 = arith.constant 192 : i32
    %dma_start3A_513 = arith.constant 0 : i32
    %dma_start3A_514 = tpu.memref_slice %arg3[%dma_start3A_507, %add3A, %dma_start3A_512, %dma_start3A_513] : memref<3x32x256x256xf32, #tpu.memory_space<hbm>> -> memref<1x1x64x256xf32, #tpu.memory_space<hbm>>
    %dma_start3A_515 = tpu.memref_squeeze %dma_start3A_514 : memref<1x1x64x256xf32, #tpu.memory_space<hbm>> -> memref<64x256xf32, #tpu.memory_space<hbm>>
    %dma_start3A_516 = arith.constant 192 : i32
    %dma_start3A_517 = arith.constant 0 : i32
    %dma_start3A_518 = tpu.memref_slice %arg3[%dma_start3A_507, %add3A, %dma_start3A_516, %dma_start3A_517] : memref<3x32x256x256xf32, #tpu.memory_space<hbm>> -> memref<1x1x64x256xf32, #tpu.memory_space<hbm>>
    %dma_start3A_519 = tpu.memref_squeeze %dma_start3A_518 : memref<1x1x64x256xf32, #tpu.memory_space<hbm>> -> memref<64x256xf32, #tpu.memory_space<hbm>>
    %dma_start3A_520 = arith.constant 0 : i32
    %dma_start3A_521 = arith.constant 0 : i32
    %dma_start3A_522 = tpu.memref_slice %arg4[%dma_start3A_506, %dma_start3A_520, %dma_start3A_521] : memref<3x128x256xf32, #tpu.memory_space<vmem>> -> memref<1x64x256xf32, #tpu.memory_space<vmem>>
    %dma_start3A_523 = tpu.memref_squeeze %dma_start3A_522 : memref<1x64x256xf32, #tpu.memory_space<vmem>> -> memref<64x256xf32, #tpu.memory_space<vmem>>
    tpu.enqueue_dma source(%dma_start3A_523 : memref<64x256xf32, #tpu.memory_space<vmem>>) target(%dma_start3A_519 : memref<64x256xf32, #tpu.memory_space<hbm>>) target_semaphore(%arg6 : memref<!tpu.dma_semaphore, #tpu.memory_space<semaphore_mem>>)
    %dma_wait3A_524 = arith.constant 2 : i32
    %dma_wait3A_525 = arith.constant 2 : i32
    %dma_wait3A_526 = arith.constant 0 : i32
    %dma_wait3A_527 = arith.constant 0 : i32
    %dma_wait3A_528 = tpu.memref_slice %arg4[%dma_wait3A_524, %dma_wait3A_526, %dma_wait3A_527] : memref<3x128x256xf32, #tpu.memory_space<vmem>> -> memref<1x128x256xf32, #tpu.memory_space<vmem>>
    %dma_wait3A_529 = tpu.memref_squeeze %dma_wait3A_528 : memref<1x128x256xf32, #tpu.memory_space<vmem>> -> memref<128x256xf32, #tpu.memory_space<vmem>>
    %dma_wait3A_530 = arith.constant 0 : i32
    %dma_wait3A_531 = arith.constant 0 : i32
    %dma_wait3A_532 = tpu.memref_slice %arg3[%dma_wait3A_525, %add3A, %dma_wait3A_530, %dma_wait3A_531] : memref<3x32x256x256xf32, #tpu.memory_space<hbm>> -> memref<1x1x128x256xf32, #tpu.memory_space<hbm>>
    %dma_wait3A_533 = tpu.memref_squeeze %dma_wait3A_532 : memref<1x1x128x256xf32, #tpu.memory_space<hbm>> -> memref<128x256xf32, #tpu.memory_space<hbm>>
    %dma_wait3A_534 = arith.constant 0 : i32
    %dma_wait3A_535 = arith.constant 0 : i32
    %dma_wait3A_536 = tpu.memref_slice %arg3[%dma_wait3A_525, %add3A, %dma_wait3A_534, %dma_wait3A_535] : memref<3x32x256x256xf32, #tpu.memory_space<hbm>> -> memref<1x1x128x256xf32, #tpu.memory_space<hbm>>
    %dma_wait3A_537 = tpu.memref_squeeze %dma_wait3A_536 : memref<1x1x128x256xf32, #tpu.memory_space<hbm>> -> memref<128x256xf32, #tpu.memory_space<hbm>>
    %dma_wait3A_538 = arith.constant 0 : i32
    %dma_wait3A_539 = arith.constant 0 : i32
    %dma_wait3A_540 = tpu.memref_slice %arg4[%dma_wait3A_524, %dma_wait3A_538, %dma_wait3A_539] : memref<3x128x256xf32, #tpu.memory_space<vmem>> -> memref<1x128x256xf32, #tpu.memory_space<vmem>>
    %dma_wait3A_541 = tpu.memref_squeeze %dma_wait3A_540 : memref<1x128x256xf32, #tpu.memory_space<vmem>> -> memref<128x256xf32, #tpu.memory_space<vmem>>
    tpu.wait_dma2 semaphore(%arg6 : memref<!tpu.dma_semaphore, #tpu.memory_space<semaphore_mem>>) src(%dma_wait3A_541 : memref<128x256xf32, #tpu.memory_space<vmem>>) dst(%dma_wait3A_537 : memref<128x256xf32, #tpu.memory_space<hbm>>)
    %dma_wait3A_542 = arith.constant 0 : i32
    %dma_wait3A_543 = arith.constant 2 : i32
    %dma_wait3A_544 = arith.constant 0 : i32
    %dma_wait3A_545 = arith.constant 0 : i32
    %dma_wait3A_546 = tpu.memref_slice %arg4[%dma_wait3A_542, %dma_wait3A_544, %dma_wait3A_545] : memref<3x128x256xf32, #tpu.memory_space<vmem>> -> memref<1x64x256xf32, #tpu.memory_space<vmem>>
    %dma_wait3A_547 = tpu.memref_squeeze %dma_wait3A_546 : memref<1x64x256xf32, #tpu.memory_space<vmem>> -> memref<64x256xf32, #tpu.memory_space<vmem>>
    %dma_wait3A_548 = arith.constant 128 : i32
    %dma_wait3A_549 = arith.constant 0 : i32
    %dma_wait3A_550 = tpu.memref_slice %arg3[%dma_wait3A_543, %add3A, %dma_wait3A_548, %dma_wait3A_549] : memref<3x32x256x256xf32, #tpu.memory_space<hbm>> -> memref<1x1x64x256xf32, #tpu.memory_space<hbm>>
    %dma_wait3A_551 = tpu.memref_squeeze %dma_wait3A_550 : memref<1x1x64x256xf32, #tpu.memory_space<hbm>> -> memref<64x256xf32, #tpu.memory_space<hbm>>
    %dma_wait3A_552 = arith.constant 128 : i32
    %dma_wait3A_553 = arith.constant 0 : i32
    %dma_wait3A_554 = tpu.memref_slice %arg3[%dma_wait3A_543, %add3A, %dma_wait3A_552, %dma_wait3A_553] : memref<3x32x256x256xf32, #tpu.memory_space<hbm>> -> memref<1x1x64x256xf32, #tpu.memory_space<hbm>>
    %dma_wait3A_555 = tpu.memref_squeeze %dma_wait3A_554 : memref<1x1x64x256xf32, #tpu.memory_space<hbm>> -> memref<64x256xf32, #tpu.memory_space<hbm>>
    %dma_wait3A_556 = arith.constant 0 : i32
    %dma_wait3A_557 = arith.constant 0 : i32
    %dma_wait3A_558 = tpu.memref_slice %arg4[%dma_wait3A_542, %dma_wait3A_556, %dma_wait3A_557] : memref<3x128x256xf32, #tpu.memory_space<vmem>> -> memref<1x64x256xf32, #tpu.memory_space<vmem>>
    %dma_wait3A_559 = tpu.memref_squeeze %dma_wait3A_558 : memref<1x64x256xf32, #tpu.memory_space<vmem>> -> memref<64x256xf32, #tpu.memory_space<vmem>>
    tpu.wait_dma2 semaphore(%arg6 : memref<!tpu.dma_semaphore, #tpu.memory_space<semaphore_mem>>) src(%dma_wait3A_559 : memref<64x256xf32, #tpu.memory_space<vmem>>) dst(%dma_wait3A_555 : memref<64x256xf32, #tpu.memory_space<hbm>>)
    %dma_wait3A_560 = arith.constant 1 : i32
    %dma_wait3A_561 = arith.constant 2 : i32
    %dma_wait3A_562 = arith.constant 0 : i32
    %dma_wait3A_563 = arith.constant 0 : i32
    %dma_wait3A_564 = tpu.memref_slice %arg4[%dma_wait3A_560, %dma_wait3A_562, %dma_wait3A_563] : memref<3x128x256xf32, #tpu.memory_space<vmem>> -> memref<1x64x256xf32, #tpu.memory_space<vmem>>
    %dma_wait3A_565 = tpu.memref_squeeze %dma_wait3A_564 : memref<1x64x256xf32, #tpu.memory_space<vmem>> -> memref<64x256xf32, #tpu.memory_space<vmem>>
    %dma_wait3A_566 = arith.constant 192 : i32
    %dma_wait3A_567 = arith.constant 0 : i32
    %dma_wait3A_568 = tpu.memref_slice %arg3[%dma_wait3A_561, %add3A, %dma_wait3A_566, %dma_wait3A_567] : memref<3x32x256x256xf32, #tpu.memory_space<hbm>> -> memref<1x1x64x256xf32, #tpu.memory_space<hbm>>
    %dma_wait3A_569 = tpu.memref_squeeze %dma_wait3A_568 : memref<1x1x64x256xf32, #tpu.memory_space<hbm>> -> memref<64x256xf32, #tpu.memory_space<hbm>>
    %dma_wait3A_570 = arith.constant 192 : i32
    %dma_wait3A_571 = arith.constant 0 : i32
    %dma_wait3A_572 = tpu.memref_slice %arg3[%dma_wait3A_561, %add3A, %dma_wait3A_570, %dma_wait3A_571] : memref<3x32x256x256xf32, #tpu.memory_space<hbm>> -> memref<1x1x64x256xf32, #tpu.memory_space<hbm>>
    %dma_wait3A_573 = tpu.memref_squeeze %dma_wait3A_572 : memref<1x1x64x256xf32, #tpu.memory_space<hbm>> -> memref<64x256xf32, #tpu.memory_space<hbm>>
    %dma_wait3A_574 = arith.constant 0 : i32
    %dma_wait3A_575 = arith.constant 0 : i32
    %dma_wait3A_576 = tpu.memref_slice %arg4[%dma_wait3A_560, %dma_wait3A_574, %dma_wait3A_575] : memref<3x128x256xf32, #tpu.memory_space<vmem>> -> memref<1x64x256xf32, #tpu.memory_space<vmem>>
    %dma_wait3A_577 = tpu.memref_squeeze %dma_wait3A_576 : memref<1x64x256xf32, #tpu.memory_space<vmem>> -> memref<64x256xf32, #tpu.memory_space<vmem>>
    tpu.wait_dma2 semaphore(%arg6 : memref<!tpu.dma_semaphore, #tpu.memory_space<semaphore_mem>>) src(%dma_wait3A_577 : memref<64x256xf32, #tpu.memory_space<vmem>>) dst(%dma_wait3A_573 : memref<64x256xf32, #tpu.memory_space<hbm>>)
    return
  }
}

</mosaic_0001>

<sc_bundles>
// kernel: kernel.3.cloned.1.call-start
scs
__scs_entry_jumppad:
0x0: {  	(pc) =	sbr.rel $0x88, $3  }
0x1: {  	(tag) =	ssettag $0x0;
	lr =	simm.s32 $0x1  }
0x2: {  	[smem:$0x3FA0] =	sst lr;
	_ =	strace $0xD0000000  }
0x3: {  	_ = 	snop  }
0x4: {  	_ = 	snop  }
0x5: {  	_ = 	snop  }
0x6: {  	_ = 	snop  }
0x7: {  	_ = 	snop  }
__scs_overlays_trampoline_lowered:
0x8: {  	[smem:$0x3FAF] =	sst s0  }
0x9: {  	[smem:$0x3FB0] =	sst s1  }
0xa: {  	[smem:$0x3FB1] =	sst s2  }
0xb: {  	[smem:$0x3FB2] =	sst s3  }
0xc: {  	[smem:$0x3FB3] =	sst s4  }
0xd: {  	[smem:$0x3FB4] =	sst s5  }
0xe: {  	[smem:$0x3FB5] =	sst s6  }
0xf: {  	[smem:$0x3FB6] =	sst s7  }
0x10: {  	[smem:$0x3FB7] =	sst s8  }
0x11: {  	[smem:$0x3FB8] =	sst s9;
	s0 =	simm.s32 @!p0 $0x0  }
0x12: {  	s1 =	sld [smem:$0x3F9E];
	s0 =	simm.s32 @p0 $0x1  }
0x13: {  	[smem:$0x3FB9] =	sst s0;
	s0 =	simm.s32 @!p1 $0x0  }
0x14: {  	s2 =	sld [smem:$0x3F9D];
	s0 =	simm.s32 @p1 $0x1  }
0x15: {  	[smem:$0x3FBA] =	sst s0;
	s0 =	simm.s32 @!p2 $0x0  }
0x16: {  	s3 =	sld [smem:$0x3FDB];
	s0 =	simm.s32 @p2 $0x1  }
0x17: {  	s4 =	simm.s32 $0x1BF5;
	[smem:$0x3FBC] =	sst s0  }
0x18: {  	s0 =	sld [smem:$0x3F9F];
	_ =	swait.ge [sflag:s4], $0x0  }
0x19: {  	s7 =	sld [smem:$0x3FA0]  }
0x1a: {  	s8 =	sadd.s32 $0xFFFFE003, lr  }
0x1b: {  	s9 =	sadd.s32 $0xFFFFFEF7, lr;
	s5 =	simm.s32 $0xFFFFFFFF;
	p2 =	slt.u32 s8, $0xFFFFF086  }
0x1c: {  	p1 =	slt.u32 s9, $0xF7A;
	s5 =	simm.s32 @!p2 $0x0  }
0x1d: {  	s5 =	simm.s32 @p1 $0x1;
	p0 =	seq.s32 s7, s2  }
0x1e: {  	s7 =	smul.u32 @!p0 $0xF7A, s2;
	p2 =	seq.s32 @!p0 s5, $0x0  }
0x1f: {  	s9 =	smul.u32 $0xF7A, s1;
	s8 =	simm.s32 @!p0 $0x1BF5;
	p2 =	por !p2, p0  }
0x20: {  	[sflag:s8] =	ssyncset.s32 @!p0 $0xFFFFF086;
	s6 =	sadd.s32 @!p0 s3, s7;
	s7 =	simm.s32 @!p0 $0x108  }
0x21: {  	s3 =	sadd.s32 s3, s9;
	s6 =	sadd.s32 @!p0 $0x88, s6;
	s7 =	simm.s32 @p2 $0x1082  }
0x22: {  	[simem:s7], [sflag:s8] =	dma.local @!p0 [hbm:s6], $0xF7A  }
0x23: {  	s9 =	sor.u32 $0xD0000000, s2;
	s6 =	simm.s32 $0x108;
	_ =	swait.ge @!p0 [sflag:s8], $0x0  }
0x24: {  	s3 =	sadd.s32 $0x88, s3;
	s6 =	simm.s32 @!p1 $0x1082;
	[sflag:s4] =	ssyncset.s32 $0xFFFFF086  }
0x25: {  	[simem:s6], [sflag:s4] =	dma.local [hbm:s3], $0xF7A  }
0x26: {  	[smem:$0x3FA0] =	sst s1;
	(tag) =	ssettag s2;
	_ =	strace s9  }
0x27: {  	s1 =	sld [smem:$0x3FB0]  }
0x28: {  	s2 =	sld [smem:$0x3FB1]  }
0x29: {  	s4 =	sld [smem:$0x3FB3]  }
0x2a: {  	p0 =	seq.s32 s5, $0x0;
	s5 =	sld [smem:$0x3FB4]  }
0x2b: {  	s6 =	sld [smem:$0x3FB5]  }
0x2c: {  	s7 =	sld [smem:$0x3FB6]  }
0x2d: {  	s3 =	simm.s32 $0x108;
	s8 =	sld [smem:$0x3FB7]  }
0x2e: {  	s3 =	simm.s32 @!p0 $0x1082;
	s9 =	sld [smem:$0x3FB8]  }
0x2f: {  	lr =	sadd.s32 s0, s3;
	s0 =	sld [smem:$0x3FAF]  }
0x30: {  	s3 =	sld [smem:$0x3FB2]  }
0x31: {  	[smem:$0x3FBB] =	sst s10  }
0x32: {  	s10 =	sld [smem:$0x3FB9];
	_ =	sdelay $0x3  }
0x33: {  	p0 =	seq.s32 s10, $0x1;
	s10 =	sld [smem:$0x3FBB];
	_ =	sdelay $0x3  }
0x34: {  	[smem:$0x3FBB] =	sst s10  }
0x35: {  	s10 =	sld [smem:$0x3FBA];
	_ =	sdelay $0x3  }
0x36: {  	p1 =	seq.s32 s10, $0x1;
	s10 =	sld [smem:$0x3FBB];
	_ =	sdelay $0x3  }
0x37: {  	[smem:$0x3FBB] =	sst s10  }
0x38: {  	s10 =	sld [smem:$0x3FBC]  }
0x39: {  	_ = 	snop;
	(pc) =	sbr.ind lr, $3  }
0x3a: {  	_ = 	snop  }
0x3b: {  	_ = 	snop  }
0x3c: {  	p2 =	seq.s32 s10, $0x1;
	s10 =	sld [smem:$0x3FBB]  }
0x3d: {  	_ =	shalt  }
0x3e: {  	_ =	shalt  }
0x3f: {  	_ =	shalt  }
0x40: {  	_ =	shalt  }
0x41: {  	_ =	shalt  }
0x42: {  	_ =	shalt  }
0x43: {  	_ =	shalt  }
0x44: {  	_ =	shalt  }
0x45: {  	_ =	shalt  }
0x46: {  	_ =	shalt  }
0x47: {  	_ =	shalt  }
0x48: {  	_ =	shalt  }
0x49: {  	_ =	shalt  }
0x4a: {  	_ =	shalt  }
0x4b: {  	_ =	shalt  }
0x4c: {  	_ =	shalt  }
0x4d: {  	_ =	shalt  }
0x4e: {  	_ =	shalt  }
0x4f: {  	_ =	shalt  }
0x50: {  	_ =	shalt  }
0x51: {  	_ =	shalt  }
0x52: {  	_ =	shalt  }
0x53: {  	_ =	shalt  }
0x54: {  	_ =	shalt  }
0x55: {  	_ =	shalt  }
0x56: {  	_ =	shalt  }
0x57: {  	_ =	shalt  }
0x58: {  	_ =	shalt  }
0x59: {  	_ =	shalt  }
0x5a: {  	_ =	shalt  }
0x5b: {  	_ =	shalt  }
0x5c: {  	_ =	shalt  }
0x5d: {  	_ =	shalt  }
0x5e: {  	_ =	shalt  }
0x5f: {  	_ =	shalt  }
0x60: {  	_ =	shalt  }
0x61: {  	_ =	shalt  }
0x62: {  	_ =	shalt  }
0x63: {  	_ =	shalt  }
0x64: {  	_ =	shalt  }
0x65: {  	_ =	shalt  }
0x66: {  	_ =	shalt  }
0x67: {  	_ =	shalt  }
0x68: {  	_ =	shalt  }
0x69: {  	_ =	shalt  }
0x6a: {  	_ =	shalt  }
0x6b: {  	_ =	shalt  }
0x6c: {  	_ =	shalt  }
0x6d: {  	_ =	shalt  }
0x6e: {  	_ =	shalt  }
0x6f: {  	_ =	shalt  }
0x70: {  	_ =	shalt  }
0x71: {  	_ =	shalt  }
0x72: {  	_ =	shalt  }
0x73: {  	_ =	shalt  }
0x74: {  	_ =	shalt  }
0x75: {  	_ =	shalt  }
0x76: {  	_ =	shalt  }
0x77: {  	_ =	shalt  }
0x78: {  	_ =	shalt  }
0x79: {  	_ =	shalt  }
0x7a: {  	_ =	shalt  }
0x7b: {  	_ =	shalt  }
0x7c: {  	_ =	shalt  }
0x7d: {  	_ =	shalt  }
0x7e: {  	_ =	shalt  }
0x7f: {  	_ =	shalt  }
0x80: {  	_ =	shalt  }
0x81: {  	_ =	shalt  }
0x82: {  	_ =	shalt  }
0x83: {  	_ =	shalt  }
0x84: {  	_ =	shalt  }
0x85: {  	_ =	shalt  }
0x86: {  	_ =	shalt  }
0x87: {  	_ =	shalt  }
.Lfunc_end0:
.L_simem_size_0:
called_computation_lowered:
.L_overlay_start_0:
0x88: {  	s2 =	sld [smem:$0x3FD9]  }
0x89: {  	s3 =	sld [smem:$0x3FFE];
	_ =	sdelay $0x1  }
0x8a: {  	s1 =	srdreg.scid  }
0x8b: {  	s0 =	sand.u32 $0x1, s1  }
0x8c: {  	s18 =	sshll.u32 s0, $0xA;
	s2 =	sadd.s32 s3, s2  }
0x8d: {  	s2 =	sadd.s32 s2, s18  }
0x8e: {  	[smem:$0x3FC7] =	sst s2  }
0x8f: {  	_ = 	snop  }
0x90: {  	s2 =	sld [smem:$0x3FC9]  }
0x91: {  	s19 =	sld [smem:$0x3FD0];
	(tm) =	ssettm $0x1  }
0x92: {  	s4 =	sld [smem:$0x3FFB];
	_ =	sdelay $0x3  }
0x93: {  	_ =	strace s4  }
0x94: {  	s4 =	sld [smem:$0x3FFC];
	_ =	sdelay $0x3  }
0x95: {  	_ =	strace s4  }
0x96: {  	s4 =	sld [smem:$0x3FFD];
	_ =	sdelay $0x3  }
0x97: {  	_ =	strace s4  }
0x98: {  	_ =	strace $0x8FFFFFFF  }
0x99: {  	s20 =	sld [smem:$0x3FDB];
	_ =	sdelay $0x1  }
0x9a: {  	s5 =	simm.s32 $_scs_section_size  }
0x9b: {  	s6 =	simm.s32 $_size__tile_overlayer_lowered;
	s7 =	simm.s32 $_tile_overlayer_lowered  }
0x9c: {  	s23 =	simm.s32 $0x1BFF;
	s22 =	sshll.u32 s7, $0x1;
	s4 =	sadd.s32 s5, s20  }
0x9d: {  	s8 =	simm.s32 $0x0;
	s21 =	sshll.u32 s6, $0x1;
	s6 =	sadd.s32 s22, s4  }
0x9e: {  	[timem:s8], [sflag:s23] =	dma.local [hbm:s6], s21  }
0x9f: {  	_ =	swait.ge [sflag:s23], s21  }
0xa0: {  	s5 =	ssub.s32 $0x0, s21;
	[sflag:s23] =	ssyncset.done $0x0  }
0xa1: {  	[sflag:s23] =	ssyncadd.s32 s5;
	_ =	sdelay $0x1  }
0xa2: {  	s24 =	simm.s32 $0x1B8B  }
0xa3: {  	_ =	swait.ge [sflag:s24], $0x1  }
0xa4: {  	[sflag:s24] =	ssyncset.done $0x0  }
0xa5: {  	s25 =	simm.s32 $0x1B8E;
	[sflag:s24] =	ssyncadd.s32 $0xFFFFFFFF  }
0xa6: {  	s26 =	simm.s32 $execute0_lowered;
	[smem:$0x3FD2] =	sst s25  }
0xa7: {  	s5 =	sshll.u32 s26, $0x1;
	_ =	strace $0x80000046;
	[dreg:$0x1] =	wrdreg $0xFFFFFFFF  }
0xa8: {  	s28 =	simm.s32 $_size_execute0_lowered;
	s4 =	sadd.s32 s4, s5;
	[dreg:$0x0] =	wrdreg $0x0  }
0xa9: {  	s5 =	sshll.u32 s28, $0x1;
	[dreg:$0x2] =	wrdreg s4  }
0xaa: {  	[dreg:$0x3] =	wrdreg s5  }
0xab: {  	[dreg:$0x4] =	wrdreg $0xC0  }
0xac: {  	_ =	task [dreg:s8], $0x5FFFF  }
0xad: {  	[dreg:$0x1] =	wrdreg $0xFFFFFFFF  }
0xae: {  	[dreg:$0x0] =	wrdreg $0x60  }
0xaf: {  	[dreg:$0x2] =	wrdreg s2  }
0xb0: {  	[dreg:$0x3] =	wrdreg s19  }
0xb1: {  	[dreg:$0x4] =	wrdreg $0x9  }
0xb2: {  	_ =	task.clear_ibuf [dreg:s8], $0x5FFFF;
	_ =	strace $0x90000046  }
0xb3: {  	s29 =	simm.s32 $0x9;
	_ =	strace $0x80000048  }
0xb4: {  	_ =	swait.ge [sflag:s29], $0x1  }
0xb5: {  	[sflag:s29] =	ssyncadd.s32 $0xFFFFFFFF  }
0xb6: {  	_ =	strace $0x90000048  }
0xb7: {  	_ =	sfence  }
0xb8: {  	s30 =	sld [smem:$0x0];
	_ =	sdelay $0x2  }
0xb9: {  	s31 =	sshll.u32 s1, $0xD;
	s1 =	sshrl.u32 s1, $0x2  }
0xba: {  	s3 =	sand.u32 $0x4000, s31;
	s1 =	sadd.s32 s1, s30  }
0xbb: {  	s0 =	sor.u32 s3, s0;
	s1 =	sshll.u32 s1, $0x11  }
0xbc: {  	s0 =	sor.u32 s1, s0  }
0xbd: {  	s0 =	sadd.s32 $0x8F2B, s0  }
0xbe: {  	[sflag:s0] =	ssyncadd.remote.s32 $0x1  }
0xbf: {  	_ =	sfence.sel $0xFFFF  }
0xc0: {  	[dreg:$0x0] =	wrdreg $0xFFFFFFFF;
	(pc) =	sbr.abs _section_cstart, $3  }
0xc1: {  	[dreg:$0x1] =	wrdreg $0xFFFFFFFF  }
0xc2: {  	_ =	task.clear_ibuf [dreg:s8], $0x2FFFF;
	_ =	strace $0x9FFFFFFF  }
0xc3: {  	(tm) =	ssettm $0x7FFFFFFF  }
tec
execute0_lowered:
.L_overlay_start_1:
0x0: {  	(tag) =	ssettag $0x1  }
0x1: {  	s1 =	srdreg.scid;
	s0 =	stileid.u32  }
0x2: {  	s23 =	sand.u32 $0x1, s1;
	s31 =	sshll.u32 s0, $0x1  }
0x3: {  	s7 =	sor.u32 s23, s31  }
0x4: {  	s4 =	smul.u32 $0x4D29DB, s7  }
0x5: {  	s3 =	rddreg [dreg:$0x0]  }
0x6: {  	s8 =	rddreg [dreg:$0x1];
	s2 =	simm.s32 $0x0;
	s4 =	sshrl.u32 s4, $0x6  }
0x7: {  	[smem:$0x7FF] =	sst s2;
	s4 =	sand.u32 $0x3FE000, s4  }
0x8: {  	s1 =	rddreg [dreg:$0x2];
	_ =	strace $0x80000047;
	s3 =	sadd.s32 s3, s4  }
0x9: {  	[tilespmem:s2], [sflag:$0x1] =	stream.linear.gather [hbm4b:s3+s2], $0x4000, $0x38;
	[tilespmem:$0x18000] =	vst v63  }
0xa: {  	s5 =	simm.s32 $0x8000;
	s6 =	simm.s32 $0x1;
	s4 =	sadd.s32 $0x800, s3  }
0xb: {  	[tilespmem:s5], [sflag:$0x1] =	stream.linear.gather [hbm4b:s4+s2], $0x4000, $0x38;
	[tilespmem:$0x18000] =	vst v63  }
0xc: {  	_ =	swait.ge [sflag:s6], $0x4000  }
0xd: {  	s7 =	sshll.u32 s7, $0xD;
	[sflag:s6] =	ssyncset.done $0x0  }
0xe: {  	s7 =	sadd.s32 s8, s7;
	[sflag:s6] =	ssyncadd.s32 $0xFFFFC000  }
0xf: {  	[hbm4b:s7+s2] =	stream.linear.scatter [tilespmem:s2], [sflag:$0x2], $0x4000, $0x38;
	[tilespmem:$0x18000] =	vst v63  }
0x10: {  	s9 =	simm.s32 $0x10000;
	s8 =	sadd.s32 $0x1000, s3  }
0x11: {  	[tilespmem:s9], [sflag:$0x1] =	stream.linear.gather [hbm4b:s8+s2], $0x8000, $0x38;
	[tilespmem:$0x18000] =	vst v63  }
0x12: {  	_ =	swait.ge [sflag:s6], $0x4000  }
0x13: {  	[sflag:s6] =	ssyncset.done $0x0  }
0x14: {  	s10 =	simm.s32 $0x2;
	s11 =	sadd.s32 $0x800, s7;
	[sflag:s6] =	ssyncadd.s32 $0xFFFFC000  }
0x15: {  	[hbm4b:s11+s2] =	stream.linear.scatter [tilespmem:s5], [sflag:$0x2], $0x4000, $0x38;
	[tilespmem:$0x18000] =	vst v63  }
0x16: {  	_ =	swait.ge [sflag:s10], $0x4000  }
0x17: {  	[sflag:s10] =	ssyncset.done $0x0  }
0x18: {  	s12 =	sadd.s32 $0x258000, s3;
	[sflag:s10] =	ssyncadd.s32 $0xFFFFC000  }
0x19: {  	[tilespmem:s2], [sflag:$0x1] =	stream.linear.gather [hbm4b:s12+s2], $0x8000, $0x38;
	[tilespmem:$0x18000] =	vst v63  }
0x1a: {  	_ =	swait.ge [sflag:s6], $0x8000  }
0x1b: {  	[sflag:s6] =	ssyncset.done $0x0  }
0x1c: {  	s13 =	sadd.s32 $0x1000, s7;
	[sflag:s6] =	ssyncadd.s32 $0xFFFF8000  }
0x1d: {  	[hbm4b:s13+s2] =	stream.linear.scatter [tilespmem:s9], [sflag:$0x2], $0x8000, $0x38;
	[tilespmem:$0x18000] =	vst v63  }
0x1e: {  	_ =	swait.ge [sflag:s10], $0x4000  }
0x1f: {  	[sflag:s10] =	ssyncset.done $0x0  }
0x20: {  	s14 =	sadd.s32 $0x259000, s3;
	[sflag:s10] =	ssyncadd.s32 $0xFFFFC000  }
0x21: {  	[tilespmem:s5], [sflag:$0x1] =	stream.linear.gather [hbm4b:s14+s2], $0x8000, $0x38;
	[tilespmem:$0x18000] =	vst v63  }
0x22: {  	_ =	swait.ge [sflag:s6], $0x8000  }
0x23: {  	[sflag:s6] =	ssyncset.done $0x0  }
0x24: {  	s15 =	sadd.s32 $0x40000, s7;
	[sflag:s6] =	ssyncadd.s32 $0xFFFF8000  }
0x25: {  	[hbm4b:s15+s2] =	stream.linear.scatter [tilespmem:s2], [sflag:$0x2], $0x8000, $0x38;
	[tilespmem:$0x18000] =	vst v63  }
0x26: {  	_ =	swait.ge [sflag:s10], $0x8000  }
0x27: {  	[sflag:s10] =	ssyncset.done $0x0  }
0x28: {  	s16 =	sadd.s32 $0x4B0000, s3;
	[sflag:s10] =	ssyncadd.s32 $0xFFFF8000  }
0x29: {  	[tilespmem:s9], [sflag:$0x1] =	stream.linear.gather [hbm4b:s16+s2], $0x8000, $0x38;
	[tilespmem:$0x18000] =	vst v63  }
0x2a: {  	_ =	swait.ge [sflag:s6], $0x8000  }
0x2b: {  	[sflag:s6] =	ssyncset.done $0x0  }
0x2c: {  	s17 =	sadd.s32 $0x41000, s7;
	[sflag:s6] =	ssyncadd.s32 $0xFFFF8000  }
0x2d: {  	[hbm4b:s17+s2] =	stream.linear.scatter [tilespmem:s5], [sflag:$0x2], $0x8000, $0x38;
	[tilespmem:$0x18000] =	vst v63  }
0x2e: {  	_ =	swait.ge [sflag:s10], $0x8000  }
0x2f: {  	[sflag:s10] =	ssyncset.done $0x0  }
0x30: {  	s18 =	sadd.s32 $0x4B1000, s3;
	[sflag:s10] =	ssyncadd.s32 $0xFFFF8000  }
0x31: {  	[tilespmem:s2], [sflag:$0x1] =	stream.linear.gather [hbm4b:s18+s2], $0x4000, $0x38;
	[tilespmem:$0x18000] =	vst v63  }
0x32: {  	_ =	swait.ge [sflag:s6], $0x8000  }
0x33: {  	[sflag:s6] =	ssyncset.done $0x0  }
0x34: {  	s19 =	sadd.s32 $0x80000, s7;
	[sflag:s6] =	ssyncadd.s32 $0xFFFF8000  }
0x35: {  	[hbm4b:s19+s2] =	stream.linear.scatter [tilespmem:s9], [sflag:$0x2], $0x8000, $0x38;
	[tilespmem:$0x18000] =	vst v63  }
0x36: {  	_ =	swait.ge [sflag:s10], $0x8000  }
0x37: {  	[sflag:s10] =	ssyncset.done $0x0  }
0x38: {  	s20 =	sadd.s32 $0x4B1800, s3;
	[sflag:s10] =	ssyncadd.s32 $0xFFFF8000  }
0x39: {  	[tilespmem:s5], [sflag:$0x1] =	stream.linear.gather [hbm4b:s20+s2], $0x4000, $0x38;
	[tilespmem:$0x18000] =	vst v63  }
0x3a: {  	_ =	swait.ge [sflag:s6], $0x4000  }
0x3b: {  	[sflag:s6] =	ssyncset.done $0x0  }
0x3c: {  	s21 =	sadd.s32 $0x81000, s7;
	[sflag:s6] =	ssyncadd.s32 $0xFFFFC000  }
0x3d: {  	[hbm4b:s21+s2] =	stream.linear.scatter [tilespmem:s2], [sflag:$0x2], $0x4000, $0x38;
	[tilespmem:$0x18000] =	vst v63  }
0x3e: {  	_ =	swait.ge [sflag:s6], $0x4000  }
0x3f: {  	s23 =	ssub.s32 $0x2, s23;
	[sflag:s6] =	ssyncset.done $0x0  }
0x40: {  	s24 =	sshrl.u32 s23, $0x1;
	s22 =	sadd.s32 $0x81800, s7;
	[sflag:s6] =	ssyncadd.s32 $0xFFFFC000  }
0x41: {  	[hbm4b:s22+s2] =	stream.linear.scatter [tilespmem:s5], [sflag:$0x2], $0x4000, $0x38;
	[tilespmem:$0x18000] =	vst v63  }
0x42: {  	s23 =	ssub.s32 s23, s24;
	_ =	swait.ge [sflag:s10], $0x8000  }
0x43: {  	s23 =	smax.u32 s23, $0x1;
	[sflag:s10] =	ssyncset.done $0x0  }
0x44: {  	p0 =	sne.s32 s23, $0x1;
	[sflag:s10] =	ssyncadd.s32 $0xFFFF8000  }
.Ltmp0:
0x45: {  	_ =	swait.ge [sflag:s10], $0x4000;
	(pc) =	sbr.rel @!p0 .LBB2_2-.Ltmp0, $4  }
0x46: {  	[sflag:s10] =	ssyncset.done $0x0  }
0x47: {  	[sflag:s10] =	ssyncadd.s32 $0xFFFFC000  }
0x48: {  	_ =	swait.ge [sflag:s10], $0x4000  }
0x49: {  	s23 =	sadd.s32 $0xFFFFFFFF, s23;
	[sflag:s10] =	ssyncset.done $0x0  }
.LBB2_1:
0x4a: {  	p0 =	sne.s32 s23, $0x1;
	s23 =	sadd.s32 $0xFFFFFFFF, s23;
	[sflag:s10] =	ssyncadd.s32 $0xFFFFC000  }
0x4b: {  	[tilespmem:s2], [sflag:$0x1] =	stream.linear.gather [hbm4b:s3+s2], $0x4000, $0x38;
	[tilespmem:$0x18000] =	vst v63  }
0x4c: {  	_ = 	snop  }
0x4d: {  	[tilespmem:s5], [sflag:$0x1] =	stream.linear.gather [hbm4b:s4+s2], $0x4000, $0x38;
	[tilespmem:$0x18000] =	vst v63  }
0x4e: {  	_ =	swait.ge [sflag:s6], $0x4000  }
0x4f: {  	[sflag:s6] =	ssyncset.done $0x0  }
0x50: {  	[sflag:s6] =	ssyncadd.s32 $0xFFFFC000  }
0x51: {  	[hbm4b:s7+s2] =	stream.linear.scatter [tilespmem:s2], [sflag:$0x2], $0x4000, $0x38;
	[tilespmem:$0x18000] =	vst v63  }
0x52: {  	_ = 	snop  }
0x53: {  	[tilespmem:s9], [sflag:$0x1] =	stream.linear.gather [hbm4b:s8+s2], $0x8000, $0x38;
	[tilespmem:$0x18000] =	vst v63  }
0x54: {  	_ =	swait.ge [sflag:s6], $0x4000  }
0x55: {  	[sflag:s6] =	ssyncset.done $0x0  }
0x56: {  	[sflag:s6] =	ssyncadd.s32 $0xFFFFC000  }
0x57: {  	[hbm4b:s11+s2] =	stream.linear.scatter [tilespmem:s5], [sflag:$0x2], $0x4000, $0x38;
	[tilespmem:$0x18000] =	vst v63  }
0x58: {  	_ =	swait.ge [sflag:s10], $0x4000  }
0x59: {  	[sflag:s10] =	ssyncset.done $0x0  }
0x5a: {  	[sflag:s10] =	ssyncadd.s32 $0xFFFFC000  }
0x5b: {  	[tilespmem:s2], [sflag:$0x1] =	stream.linear.gather [hbm4b:s12+s2], $0x8000, $0x38;
	[tilespmem:$0x18000] =	vst v63  }
0x5c: {  	_ =	swait.ge [sflag:s6], $0x8000  }
0x5d: {  	[sflag:s6] =	ssyncset.done $0x0  }
0x5e: {  	[sflag:s6] =	ssyncadd.s32 $0xFFFF8000  }
0x5f: {  	[hbm4b:s13+s2] =	stream.linear.scatter [tilespmem:s9], [sflag:$0x2], $0x8000, $0x38;
	[tilespmem:$0x18000] =	vst v63  }
0x60: {  	_ =	swait.ge [sflag:s10], $0x4000  }
0x61: {  	[sflag:s10] =	ssyncset.done $0x0  }
0x62: {  	[sflag:s10] =	ssyncadd.s32 $0xFFFFC000  }
0x63: {  	[tilespmem:s5], [sflag:$0x1] =	stream.linear.gather [hbm4b:s14+s2], $0x8000, $0x38;
	[tilespmem:$0x18000] =	vst v63  }
0x64: {  	_ =	swait.ge [sflag:s6], $0x8000  }
0x65: {  	[sflag:s6] =	ssyncset.done $0x0  }
0x66: {  	[sflag:s6] =	ssyncadd.s32 $0xFFFF8000  }
0x67: {  	[hbm4b:s15+s2] =	stream.linear.scatter [tilespmem:s2], [sflag:$0x2], $0x8000, $0x38;
	[tilespmem:$0x18000] =	vst v63  }
0x68: {  	_ =	swait.ge [sflag:s10], $0x8000  }
0x69: {  	[sflag:s10] =	ssyncset.done $0x0  }
0x6a: {  	[sflag:s10] =	ssyncadd.s32 $0xFFFF8000  }
0x6b: {  	[tilespmem:s9], [sflag:$0x1] =	stream.linear.gather [hbm4b:s16+s2], $0x8000, $0x38;
	[tilespmem:$0x18000] =	vst v63  }
0x6c: {  	_ =	swait.ge [sflag:s6], $0x8000  }
0x6d: {  	[sflag:s6] =	ssyncset.done $0x0  }
0x6e: {  	[sflag:s6] =	ssyncadd.s32 $0xFFFF8000  }
0x6f: {  	[hbm4b:s17+s2] =	stream.linear.scatter [tilespmem:s5], [sflag:$0x2], $0x8000, $0x38;
	[tilespmem:$0x18000] =	vst v63  }
0x70: {  	_ =	swait.ge [sflag:s10], $0x8000  }
0x71: {  	[sflag:s10] =	ssyncset.done $0x0  }
0x72: {  	[sflag:s10] =	ssyncadd.s32 $0xFFFF8000  }
0x73: {  	[tilespmem:s2], [sflag:$0x1] =	stream.linear.gather [hbm4b:s18+s2], $0x4000, $0x38;
	[tilespmem:$0x18000] =	vst v63  }
0x74: {  	_ =	swait.ge [sflag:s6], $0x8000  }
0x75: {  	[sflag:s6] =	ssyncset.done $0x0  }
0x76: {  	[sflag:s6] =	ssyncadd.s32 $0xFFFF8000  }
0x77: {  	[hbm4b:s19+s2] =	stream.linear.scatter [tilespmem:s9], [sflag:$0x2], $0x8000, $0x38;
	[tilespmem:$0x18000] =	vst v63  }
0x78: {  	_ =	swait.ge [sflag:s10], $0x8000  }
0x79: {  	[sflag:s10] =	ssyncset.done $0x0  }
0x7a: {  	[sflag:s10] =	ssyncadd.s32 $0xFFFF8000  }
0x7b: {  	[tilespmem:s5], [sflag:$0x1] =	stream.linear.gather [hbm4b:s20+s2], $0x4000, $0x38;
	[tilespmem:$0x18000] =	vst v63  }
0x7c: {  	_ =	swait.ge [sflag:s6], $0x4000  }
0x7d: {  	[sflag:s6] =	ssyncset.done $0x0  }
0x7e: {  	[sflag:s6] =	ssyncadd.s32 $0xFFFFC000  }
0x7f: {  	[hbm4b:s21+s2] =	stream.linear.scatter [tilespmem:s2], [sflag:$0x2], $0x4000, $0x38;
	[tilespmem:$0x18000] =	vst v63  }
0x80: {  	_ =	swait.ge [sflag:s6], $0x4000  }
0x81: {  	[sflag:s6] =	ssyncset.done $0x0  }
0x82: {  	[sflag:s6] =	ssyncadd.s32 $0xFFFFC000  }
0x83: {  	[hbm4b:s22+s2] =	stream.linear.scatter [tilespmem:s5], [sflag:$0x2], $0x4000, $0x38;
	[tilespmem:$0x18000] =	vst v63  }
0x84: {  	_ =	swait.ge [sflag:s10], $0x8000  }
0x85: {  	[sflag:s10] =	ssyncset.done $0x0  }
0x86: {  	[sflag:s10] =	ssyncadd.s32 $0xFFFF8000  }
.Ltmp1:
0x87: {  	_ =	swait.ge [sflag:s10], $0x4000;
	(pc) =	sbr.rel @p0 .LBB2_1-.Ltmp1, $4  }
0x88: {  	[sflag:s10] =	ssyncset.done $0x0  }
0x89: {  	[sflag:s10] =	ssyncadd.s32 $0xFFFFC000  }
0x8a: {  	_ =	swait.ge [sflag:s10], $0x4000  }
0x8b: {  	[sflag:s10] =	ssyncset.done $0x0  }
.LBB2_2:
0x8c: {  	[sflag:s10] =	ssyncadd.s32 $0xFFFFC000  }
0x8d: {  	_ =	sfence.sel $0x180000  }
0x8e: {  	[bflag:$0x0] =	sbarrier.arrive $0xFFFF  }
0x8f: {  	p0 =	sne.s32 s0, $0x0;
	_ =	strace $0x90000047  }
0x90: {  	s0 =	sadd.s32 @!p0 $0x100000, s1;
	[bflag:$0x2] =	sbarrier.arrive $0xFFFF  }
0x91: {  	[sflag:s0] =	ssyncadd.tile.s32 @!p0 $0x1;
	_ =	shalt  }
.Lfunc_end2:
_tile_overlayer_lowered:
.L_overlay_start_2:
0x92: {  	(tag) =	ssettag $0x2  }
0x93: {  	s0 =	rddreg [dreg:$0x0];
	s2 =	stileid.u32  }
0x94: {  	s1 =	rddreg [dreg:$0x1];
	p0 =	sne.s32 s2, $0x0  }
0x95: {  	s3 =	rddreg [dreg:$0x2];
	[bflag:$0x3] =	sbarrier.arrive $0xFFFF;
	s2 =	simm.s32 @!p0 $0x1C03  }
0x96: {  	[timem:s3], [sflag:s2] =	dma.local @!p0 [hbm:s0], s1  }
0x97: {  	s0 =	simm.s32 @!p0 $0x3  }
0x98: {  	_ =	swait.ge @!p0 [sflag:s0], s1  }
0x99: {  	s1 =	ssub.s32 @!p0 $0x0, s1;
	[sflag:s0] =	ssyncset.done @!p0 $0x0  }
0x9a: {  	[sflag:s0] =	ssyncadd.s32 @!p0 s1  }
0x9b: {  	[bflag:$0x3] =	sbarrier.arrive $0xFFFF  }
0x9c: {  	_ =	shalt  }

</sc_bundles>
